<compile_context>
chip_gen: v7x
topology: tpu7x:2x2x1
jax: 0.10.2.dev20260603
libtpu: 0.0.44.dev20260713+nightly
codegen_flags: <defaults>
</compile_context>

<pallas_src>
import functools

import jax
import jax.numpy as jnp
from jax import lax
from jax.experimental import pallas as pl
from jax.experimental.pallas import tpu as pltpu
from jax.experimental.pallas import tpu_sc as plsc

HIDDEN = 128
MAX_POS = 512
EPS = 1e-12

_info = plsc.get_sparse_core_info()
_NC, _NS, _L = _info.num_cores, _info.num_subcores, _info.num_lanes
_NW = _NC * _NS
_T = 64
_HC = HIDDEN // 16


_GATHER_DNUMS = lax.GatherDimensionNumbers(
    offset_dims=(), collapsed_slice_dims=(0,), start_index_map=(0,))


def _lane_permute(v, perm):
    return lax.gather(v, perm[:, None], _GATHER_DNUMS, slice_sizes=(1,),
                      mode=lax.GatherScatterMode.PROMISE_IN_BOUNDS)


def _allreduce_sum(v):
    idx = lax.iota(jnp.int32, 16)
    for d in (1, 2, 4, 8):
        v = v + _lane_permute(v, lax.bitwise_xor(idx, jnp.int32(d)))
    return v


def _rsqrt_nr(x):
    i = lax.bitcast_convert_type(x, jnp.int32)
    i = jnp.int32(0x5F3759DF) - lax.shift_right_logical(i, 1)
    y = lax.bitcast_convert_type(i, jnp.float32)
    half = x * jnp.float32(0.5)
    for _ in range(3):
        y = y * (jnp.float32(1.5) - half * y * y)
    return y


def _make_sc_call(N):
    JW = N // _NW // _T
    mesh = plsc.VectorSubcoreMesh(core_axis_name="c", subcore_axis_name="s")

    @functools.partial(
        pl.kernel,
        out_type=jax.ShapeDtypeStruct((N, HIDDEN), jnp.float32),
        mesh=mesh,
        scratch_types=[
            pltpu.VMEM((JW, _T), jnp.int32),
            pltpu.VMEM((MAX_POS, HIDDEN), jnp.float32),
            pltpu.VMEM((HIDDEN,), jnp.float32),
            pltpu.VMEM((HIDDEN,), jnp.float32),
            pltpu.VMEM((_T, HIDDEN), jnp.float32),
            pltpu.VMEM((_T, HIDDEN), jnp.float32),
            pltpu.VMEM((_T, HIDDEN), jnp.float32),
            pltpu.SemaphoreType.DMA,
        ],
    )
    def sc_call(ids_hbm, mode_hbm, table_hbm, pos_hbm, w_hbm, b_hbm, out_hbm,
                idx_v, pos_v, w_v, b_v, rows_v, acc_v, out_v, sem):
        wid = lax.axis_index("s") * _NC + lax.axis_index("c")
        base = wid * (N // _NW)

        pltpu.sync_copy(ids_hbm.at[wid], idx_v)
        pltpu.sync_copy(pos_hbm, pos_v)
        pltpu.sync_copy(w_hbm, w_v)
        pltpu.sync_copy(b_hbm, b_v)

        ws = [w_v[pl.ds(16 * c, 16)] for c in range(_HC)]
        bs = [b_v[pl.ds(16 * c, 16)] for c in range(_HC)]

        def jbody(j, carry):
            t0 = base + j * _T
            pltpu.async_copy(table_hbm.at[idx_v.at[j]], rows_v, sem).wait()
            pltpu.sync_copy(mode_hbm.at[pl.ds(t0, _T)], acc_v)
            s0 = lax.rem(j * _T, MAX_POS)

            def tbody(t, c2):
                xs = [acc_v[t, pl.ds(16 * c, 16)]
                      + rows_v[t, pl.ds(16 * c, 16)]
                      + pos_v[s0 + t, pl.ds(16 * c, 16)]
                      for c in range(_HC)]
                s = xs[0]
                for c in range(1, _HC):
                    s = s + xs[c]
                mean_v = _allreduce_sum(s) * jnp.float32(1.0 / HIDDEN)
                d = [x - mean_v for x in xs]
                sq = d[0] * d[0]
                for c in range(1, _HC):
                    sq = sq + d[c] * d[c]
                var_v = _allreduce_sum(sq) * jnp.float32(1.0 / HIDDEN)
                rstd = _rsqrt_nr(var_v + jnp.float32(EPS))
                for c in range(_HC):
                    out_v[t, pl.ds(16 * c, 16)] = d[c] * rstd * ws[c] + bs[c]
                return c2

            lax.fori_loop(0, _T, tbody, 0, unroll=2)
            pltpu.sync_copy(out_v, out_hbm.at[pl.ds(t0, _T)])
            return carry

        lax.fori_loop(0, JW, jbody, 0)

    return sc_call


def kernel(input_ids, mode_embeds, word_embeddings, position_embeddings,
           ln_weight, ln_bias):
    B, S = input_ids.shape
    N = B * S
    ids = input_ids.astype(jnp.int32).reshape(_NW, N // _NW // _T, _T)
    mode = mode_embeds.reshape(N, HIDDEN)
    out = _make_sc_call(N)(ids, mode, word_embeddings, position_embeddings,
                           ln_weight, ln_bias)
    return out.reshape(B, S, HIDDEN)

# --- scband reference (transcript-rebuilt; emitter-appended) ---
"""Pipeline reference for scband-embeddings-6090263625893 (READ-ONLY COPY).

The authoritative reference and input builder live on the scoring server;
editing this copy changes nothing except your own understanding.
"""

import jax, jax.numpy as jnp
import numpy as np

VOCAB = 100000
HIDDEN = 128
MAX_POS = 512
BATCH = 1024
SEQ = 512
EPS = 1e-12


def setup_inputs(seed: int = 0) -> dict:
    key = jax.random.key(seed)
    k1, k2, k3, k4 = jax.random.split(key, 4)
    input_ids = jax.random.randint(k1, (BATCH, SEQ), 0, VOCAB, dtype=jnp.int64 if jax.config.jax_enable_x64 else jnp.int32)
    mode_embeds = jax.random.normal(k2, (BATCH, SEQ, HIDDEN), dtype=jnp.float32)
    word_embeddings = jax.random.normal(k3, (VOCAB, HIDDEN), dtype=jnp.float32) * 0.02
    # padding_idx row is zeroed, matching nn.Embedding(padding_idx=PAD) with PAD=0
    word_embeddings = word_embeddings.at[0].set(0.0)
    position_embeddings = jax.random.normal(k4, (MAX_POS, HIDDEN), dtype=jnp.float32) * 0.02
    ln_weight = jnp.ones((HIDDEN,), dtype=jnp.float32)
    ln_bias = jnp.zeros((HIDDEN,), dtype=jnp.float32)
    return {
        "input_ids": input_ids,
        "mode_embeds": mode_embeds,
        "word_embeddings": word_embeddings,
        "position_embeddings": position_embeddings,
        "ln_weight": ln_weight,
        "ln_bias": ln_bias,
    }


def _layer_norm(x, weight, bias, eps):
    mean = jnp.mean(x, axis=-1, keepdims=True)
    var = jnp.mean(jnp.square(x - mean), axis=-1, keepdims=True)
    return (x - mean) / jnp.sqrt(var + eps) * weight + bias


def reference(input_ids, mode_embeds, word_embeddings, position_embeddings, ln_weight, ln_bias):
    seq_len = input_ids.shape[1]
    position_ids = jnp.arange(seq_len)[None, :]
    position_embeds = jnp.take(position_embeddings, position_ids, axis=0)  # [1, S, H]
    inputs_embeds = jnp.take(word_embeddings, input_ids, axis=0)  # [B, S, H]
    embeddings = inputs_embeds + position_embeds + mode_embeds
    embeddings = _layer_norm(embeddings, ln_weight, ln_bias, EPS)
    # dropout is identity in eval mode
    return embeddings

if __name__ == "__main__":
    import jax
    _d = setup_inputs()
    print(jax.jit(kernel)(*tuple(_d.values())))

</pallas_src>

<mosaic_0001>
#map = affine_map<(d0, d1) -> (0, 0, 0)>
#map1 = affine_map<(d0, d1) -> (0, 0)>
#map2 = affine_map<(d0, d1) -> (0)>
module attributes {stable_mosaic.version = 14 : i64} {
  func.func @sc_call(%arg0: i32, %arg1: i32, %arg2: memref<32x256x64xi32, #tpu.memory_space<hbm>>, %arg3: memref<524288x128xf32, #tpu.memory_space<hbm>>, %arg4: memref<100000x128xf32, #tpu.memory_space<hbm>>, %arg5: memref<512x128xf32, #tpu.memory_space<hbm>>, %arg6: memref<128xf32, #tpu.memory_space<hbm>>, %arg7: memref<128xf32, #tpu.memory_space<hbm>>, %arg8: memref<524288x128xf32, #tpu.memory_space<hbm>>, %arg9: memref<256x64xi32, #tpu.memory_space<vmem>>, %arg10: memref<512x128xf32, #tpu.memory_space<vmem>>, %arg11: memref<128xf32, #tpu.memory_space<vmem>>, %arg12: memref<128xf32, #tpu.memory_space<vmem>>, %arg13: memref<64x128xf32, #tpu.memory_space<vmem>>, %arg14: memref<64x128xf32, #tpu.memory_space<vmem>>, %arg15: memref<64x128xf32, #tpu.memory_space<vmem>>, %arg16: memref<!tpu.dma_semaphore, #tpu.memory_space<semaphore_mem>>) attributes {dimension_semantics = [#tpu.dimension_semantics<core_parallel>, #tpu.dimension_semantics<subcore_parallel>], iteration_bounds = array<i64: 2, 16>, scalar_prefetch = 0 : i64, scratch_operands = 8 : i64, tpu.core_type = #tpu.core_type<sc_vector_subcore>, window_params = [{transform_indices = #map}, {transform_indices = #map1}, {transform_indices = #map1}, {transform_indices = #map1}, {transform_indices = #map2}, {transform_indices = #map2}, {transform_indices = #map1}]} {
    %mul3A = arith.constant 2 : i32
    %mul3A_0 = arith.muli %arg1, %mul3A : i32
    %add3A = arith.addi %mul3A_0, %arg0 : i32
    %mul3A_1 = arith.constant 16384 : i32
    %mul3A_2 = arith.muli %add3A, %mul3A_1 : i32
    "tpu.region"() ({
      %run_scoped3A = tpu.sem_alloc : memref<!tpu.dma_semaphore, #tpu.memory_space<semaphore_mem>>
      %dma_start3A = arith.constant 0 : i32
      %dma_start3A_55 = arith.constant 0 : i32
      %dma_start3A_56 = tpu.memref_slice %arg2[%add3A, %dma_start3A, %dma_start3A_55] : memref<32x256x64xi32, #tpu.memory_space<hbm>> -> memref<1x256x64xi32, #tpu.memory_space<hbm>>
      %dma_start3A_57 = tpu.memref_squeeze %dma_start3A_56 : memref<1x256x64xi32, #tpu.memory_space<hbm>> -> memref<256x64xi32, #tpu.memory_space<hbm>>
      %dma_start3A_58 = arith.constant 0 : i32
      %dma_start3A_59 = arith.constant 0 : i32
      %dma_start3A_60 = tpu.memref_slice %arg2[%add3A, %dma_start3A_58, %dma_start3A_59] : memref<32x256x64xi32, #tpu.memory_space<hbm>> -> memref<1x256x64xi32, #tpu.memory_space<hbm>>
      %dma_start3A_61 = tpu.memref_squeeze %dma_start3A_60 : memref<1x256x64xi32, #tpu.memory_space<hbm>> -> memref<256x64xi32, #tpu.memory_space<hbm>>
      tpu.enqueue_dma source(%dma_start3A_61 : memref<256x64xi32, #tpu.memory_space<hbm>>) target(%arg9 : memref<256x64xi32, #tpu.memory_space<vmem>>) target_semaphore(%run_scoped3A : memref<!tpu.dma_semaphore, #tpu.memory_space<semaphore_mem>>)
      %dma_wait3A = arith.constant 0 : i32
      %dma_wait3A_62 = arith.constant 0 : i32
      %dma_wait3A_63 = tpu.memref_slice %arg2[%add3A, %dma_wait3A, %dma_wait3A_62] : memref<32x256x64xi32, #tpu.memory_space<hbm>> -> memref<1x256x64xi32, #tpu.memory_space<hbm>>
      %dma_wait3A_64 = tpu.memref_squeeze %dma_wait3A_63 : memref<1x256x64xi32, #tpu.memory_space<hbm>> -> memref<256x64xi32, #tpu.memory_space<hbm>>
      %dma_wait3A_65 = arith.constant 0 : i32
      %dma_wait3A_66 = arith.constant 0 : i32
      %dma_wait3A_67 = tpu.memref_slice %arg2[%add3A, %dma_wait3A_65, %dma_wait3A_66] : memref<32x256x64xi32, #tpu.memory_space<hbm>> -> memref<1x256x64xi32, #tpu.memory_space<hbm>>
      %dma_wait3A_68 = tpu.memref_squeeze %dma_wait3A_67 : memref<1x256x64xi32, #tpu.memory_space<hbm>> -> memref<256x64xi32, #tpu.memory_space<hbm>>
      tpu.wait_dma2 semaphore(%run_scoped3A : memref<!tpu.dma_semaphore, #tpu.memory_space<semaphore_mem>>) src(%dma_wait3A_68 : memref<256x64xi32, #tpu.memory_space<hbm>>) dst(%arg9 : memref<256x64xi32, #tpu.memory_space<vmem>>)
      tpu.yield
    }) : () -> ()
    "tpu.region"() ({
      %run_scoped3A = tpu.sem_alloc : memref<!tpu.dma_semaphore, #tpu.memory_space<semaphore_mem>>
      tpu.enqueue_dma source(%arg5 : memref<512x128xf32, #tpu.memory_space<hbm>>) target(%arg10 : memref<512x128xf32, #tpu.memory_space<vmem>>) target_semaphore(%run_scoped3A : memref<!tpu.dma_semaphore, #tpu.memory_space<semaphore_mem>>)
      tpu.wait_dma2 semaphore(%run_scoped3A : memref<!tpu.dma_semaphore, #tpu.memory_space<semaphore_mem>>) src(%arg5 : memref<512x128xf32, #tpu.memory_space<hbm>>) dst(%arg10 : memref<512x128xf32, #tpu.memory_space<vmem>>)
      tpu.yield
    }) : () -> ()
    "tpu.region"() ({
      %run_scoped3A = tpu.sem_alloc : memref<!tpu.dma_semaphore, #tpu.memory_space<semaphore_mem>>
      tpu.enqueue_dma source(%arg6 : memref<128xf32, #tpu.memory_space<hbm>>) target(%arg11 : memref<128xf32, #tpu.memory_space<vmem>>) target_semaphore(%run_scoped3A : memref<!tpu.dma_semaphore, #tpu.memory_space<semaphore_mem>>)
      tpu.wait_dma2 semaphore(%run_scoped3A : memref<!tpu.dma_semaphore, #tpu.memory_space<semaphore_mem>>) src(%arg6 : memref<128xf32, #tpu.memory_space<hbm>>) dst(%arg11 : memref<128xf32, #tpu.memory_space<vmem>>)
      tpu.yield
    }) : () -> ()
    "tpu.region"() ({
      %run_scoped3A = tpu.sem_alloc : memref<!tpu.dma_semaphore, #tpu.memory_space<semaphore_mem>>
      tpu.enqueue_dma source(%arg7 : memref<128xf32, #tpu.memory_space<hbm>>) target(%arg12 : memref<128xf32, #tpu.memory_space<vmem>>) target_semaphore(%run_scoped3A : memref<!tpu.dma_semaphore, #tpu.memory_space<semaphore_mem>>)
      tpu.wait_dma2 semaphore(%run_scoped3A : memref<!tpu.dma_semaphore, #tpu.memory_space<semaphore_mem>>) src(%arg7 : memref<128xf32, #tpu.memory_space<hbm>>) dst(%arg12 : memref<128xf32, #tpu.memory_space<vmem>>)
      tpu.yield
    }) : () -> ()
    %get3A = arith.constant 0 : index
    %get3A_3 = tpu.vector_load %arg11[%get3A] {strides = array<i32>} : memref<128xf32, #tpu.memory_space<vmem>>, vector<16xf32>,
    %get3A_4 = vector.shape_cast %get3A_3 : vector<16xf32> to vector<16xf32>
    %get3A_5 = arith.constant 16 : index
    %get3A_6 = tpu.vector_load %arg11[%get3A_5] {strides = array<i32>} : memref<128xf32, #tpu.memory_space<vmem>>, vector<16xf32>,
    %get3A_7 = vector.shape_cast %get3A_6 : vector<16xf32> to vector<16xf32>
    %get3A_8 = arith.constant 32 : index
    %get3A_9 = tpu.vector_load %arg11[%get3A_8] {strides = array<i32>} : memref<128xf32, #tpu.memory_space<vmem>>, vector<16xf32>,
    %get3A_10 = vector.shape_cast %get3A_9 : vector<16xf32> to vector<16xf32>
    %get3A_11 = arith.constant 48 : index
    %get3A_12 = tpu.vector_load %arg11[%get3A_11] {strides = array<i32>} : memref<128xf32, #tpu.memory_space<vmem>>, vector<16xf32>,
    %get3A_13 = vector.shape_cast %get3A_12 : vector<16xf32> to vector<16xf32>
    %get3A_14 = arith.constant 64 : index
    %get3A_15 = tpu.vector_load %arg11[%get3A_14] {strides = array<i32>} : memref<128xf32, #tpu.memory_space<vmem>>, vector<16xf32>,
    %get3A_16 = vector.shape_cast %get3A_15 : vector<16xf32> to vector<16xf32>
    %get3A_17 = arith.constant 80 : index
    %get3A_18 = tpu.vector_load %arg11[%get3A_17] {strides = array<i32>} : memref<128xf32, #tpu.memory_space<vmem>>, vector<16xf32>,
    %get3A_19 = vector.shape_cast %get3A_18 : vector<16xf32> to vector<16xf32>
    %get3A_20 = arith.constant 96 : index
    %get3A_21 = tpu.vector_load %arg11[%get3A_20] {strides = array<i32>} : memref<128xf32, #tpu.memory_space<vmem>>, vector<16xf32>,
    %get3A_22 = vector.shape_cast %get3A_21 : vector<16xf32> to vector<16xf32>
    %get3A_23 = arith.constant 112 : index
    %get3A_24 = tpu.vector_load %arg11[%get3A_23] {strides = array<i32>} : memref<128xf32, #tpu.memory_space<vmem>>, vector<16xf32>,
    %get3A_25 = vector.shape_cast %get3A_24 : vector<16xf32> to vector<16xf32>
    %get3A_26 = arith.constant 0 : index
    %get3A_27 = tpu.vector_load %arg12[%get3A_26] {strides = array<i32>} : memref<128xf32, #tpu.memory_space<vmem>>, vector<16xf32>,
    %get3A_28 = vector.shape_cast %get3A_27 : vector<16xf32> to vector<16xf32>
    %get3A_29 = arith.constant 16 : index
    %get3A_30 = tpu.vector_load %arg12[%get3A_29] {strides = array<i32>} : memref<128xf32, #tpu.memory_space<vmem>>, vector<16xf32>,
    %get3A_31 = vector.shape_cast %get3A_30 : vector<16xf32> to vector<16xf32>
    %get3A_32 = arith.constant 32 : index
    %get3A_33 = tpu.vector_load %arg12[%get3A_32] {strides = array<i32>} : memref<128xf32, #tpu.memory_space<vmem>>, vector<16xf32>,
    %get3A_34 = vector.shape_cast %get3A_33 : vector<16xf32> to vector<16xf32>
    %get3A_35 = arith.constant 48 : index
    %get3A_36 = tpu.vector_load %arg12[%get3A_35] {strides = array<i32>} : memref<128xf32, #tpu.memory_space<vmem>>, vector<16xf32>,
    %get3A_37 = vector.shape_cast %get3A_36 : vector<16xf32> to vector<16xf32>
    %get3A_38 = arith.constant 64 : index
    %get3A_39 = tpu.vector_load %arg12[%get3A_38] {strides = array<i32>} : memref<128xf32, #tpu.memory_space<vmem>>, vector<16xf32>,
    %get3A_40 = vector.shape_cast %get3A_39 : vector<16xf32> to vector<16xf32>
    %get3A_41 = arith.constant 80 : index
    %get3A_42 = tpu.vector_load %arg12[%get3A_41] {strides = array<i32>} : memref<128xf32, #tpu.memory_space<vmem>>, vector<16xf32>,
    %get3A_43 = vector.shape_cast %get3A_42 : vector<16xf32> to vector<16xf32>
    %get3A_44 = arith.constant 96 : index
    %get3A_45 = tpu.vector_load %arg12[%get3A_44] {strides = array<i32>} : memref<128xf32, #tpu.memory_space<vmem>>, vector<16xf32>,
    %get3A_46 = vector.shape_cast %get3A_45 : vector<16xf32> to vector<16xf32>
    %get3A_47 = arith.constant 112 : index
    %get3A_48 = tpu.vector_load %arg12[%get3A_47] {strides = array<i32>} : memref<128xf32, #tpu.memory_space<vmem>>, vector<16xf32>,
    %get3A_49 = vector.shape_cast %get3A_48 : vector<16xf32> to vector<16xf32>
    %scan3A = arith.constant 0 : i32
    %scan3A_50 = arith.constant 0 : i32
    %scan3A_51 = arith.constant 256 : i32
    %scan3A_52 = arith.addi %scan3A_50, %scan3A_51 : i32
    %scan3A_53 = arith.constant 1 : i32
    scf.for %scan3A_55 = %scan3A_50 to %scan3A_52 step %scan3A_53  : i32 {
      %mul3A_56 = arith.constant 64 : i32
      %mul3A_57 = arith.muli %scan3A_55, %mul3A_56 : i32
      %add3A_58 = arith.addi %mul3A_2, %mul3A_57 : i32
      %dma_start3A = arith.constant 0 : i32
      %dma_start3A_59 = tpu.memref_slice %arg9[%scan3A_55, %dma_start3A] : memref<256x64xi32, #tpu.memory_space<vmem>> -> memref<1x64xi32, #tpu.memory_space<vmem>>
      %dma_start3A_60 = tpu.memref_squeeze %dma_start3A_59 : memref<1x64xi32, #tpu.memory_space<vmem>> -> memref<64xi32, #tpu.memory_space<vmem>>
      %dma_start3A_61 = arith.constant 0 : i32
      %dma_start3A_62 = arith.constant 0 : i32
      %dma_start3A_63 = tpu.memref_slice %arg4[%dma_start3A_61, %dma_start3A_62] : memref<100000x128xf32, #tpu.memory_space<hbm>> -> memref<100000x128xf32, #tpu.memory_space<hbm>>
      tpu.enqueue_indirect_dma source(%dma_start3A_63 : memref<100000x128xf32, #tpu.memory_space<hbm>>) target(%arg13 : memref<64x128xf32, #tpu.memory_space<vmem>>) offsets(%dma_start3A_60 : memref<64xi32, #tpu.memory_space<vmem>>) semaphore(%arg16 : memref<!tpu.dma_semaphore, #tpu.memory_space<semaphore_mem>>)
      %dma_wait3A = arith.constant 0 : i32
      %dma_wait3A_64 = tpu.memref_slice %arg9[%scan3A_55, %dma_wait3A] : memref<256x64xi32, #tpu.memory_space<vmem>> -> memref<1x64xi32, #tpu.memory_space<vmem>>
      %dma_wait3A_65 = tpu.memref_squeeze %dma_wait3A_64 : memref<1x64xi32, #tpu.memory_space<vmem>> -> memref<64xi32, #tpu.memory_space<vmem>>
      %dma_wait3A_66 = arith.constant 0 : i32
      %dma_wait3A_67 = arith.constant 0 : i32
      %dma_wait3A_68 = tpu.memref_slice %arg4[%dma_wait3A_66, %dma_wait3A_67] : memref<100000x128xf32, #tpu.memory_space<hbm>> -> memref<100000x128xf32, #tpu.memory_space<hbm>>
      tpu.wait_indirect_dma semaphore(%arg16 : memref<!tpu.dma_semaphore, #tpu.memory_space<semaphore_mem>>) src(%dma_wait3A_68 : memref<100000x128xf32, #tpu.memory_space<hbm>>) dst(%arg13 : memref<64x128xf32, #tpu.memory_space<vmem>>)
      "tpu.region"() ({
        %run_scoped3A = tpu.sem_alloc : memref<!tpu.dma_semaphore, #tpu.memory_space<semaphore_mem>>
        %dma_start3A_78 = arith.constant 0 : i32
        %dma_start3A_79 = tpu.memref_slice %arg3[%add3A_58, %dma_start3A_78] : memref<524288x128xf32, #tpu.memory_space<hbm>> -> memref<64x128xf32, #tpu.memory_space<hbm>>
        %dma_start3A_80 = arith.constant 0 : i32
        %dma_start3A_81 = tpu.memref_slice %arg3[%add3A_58, %dma_start3A_80] : memref<524288x128xf32, #tpu.memory_space<hbm>> -> memref<64x128xf32, #tpu.memory_space<hbm>>
        tpu.enqueue_dma source(%dma_start3A_81 : memref<64x128xf32, #tpu.memory_space<hbm>>) target(%arg14 : memref<64x128xf32, #tpu.memory_space<vmem>>) target_semaphore(%run_scoped3A : memref<!tpu.dma_semaphore, #tpu.memory_space<semaphore_mem>>)
        %dma_wait3A_82 = arith.constant 0 : i32
        %dma_wait3A_83 = tpu.memref_slice %arg3[%add3A_58, %dma_wait3A_82] : memref<524288x128xf32, #tpu.memory_space<hbm>> -> memref<64x128xf32, #tpu.memory_space<hbm>>
        %dma_wait3A_84 = arith.constant 0 : i32
        %dma_wait3A_85 = tpu.memref_slice %arg3[%add3A_58, %dma_wait3A_84] : memref<524288x128xf32, #tpu.memory_space<hbm>> -> memref<64x128xf32, #tpu.memory_space<hbm>>
        tpu.wait_dma2 semaphore(%run_scoped3A : memref<!tpu.dma_semaphore, #tpu.memory_space<semaphore_mem>>) src(%dma_wait3A_85 : memref<64x128xf32, #tpu.memory_space<hbm>>) dst(%arg14 : memref<64x128xf32, #tpu.memory_space<vmem>>)
        tpu.yield
      }) : () -> ()
      %mul3A_69 = arith.constant 64 : i32
      %mul3A_70 = arith.muli %scan3A_55, %mul3A_69 : i32
      %rem3A = arith.constant 512 : i32
      %rem3A_71 = arith.remsi %mul3A_70, %rem3A : i32
      %scan3A_72 = arith.constant 0 : i32
      %scan3A_73 = arith.constant 0 : i32
      %scan3A_74 = arith.constant 64 : i32
      %scan3A_75 = arith.addi %scan3A_73, %scan3A_74 : i32
      %scan3A_76 = arith.constant 2 : i32
      scf.for %scan3A_78 = %scan3A_73 to %scan3A_75 step %scan3A_76  : i32 {
        %get3A_79 = arith.index_cast %scan3A_78 : i32 to index
        %get3A_80 = arith.constant 0 : index
        %get3A_81 = tpu.vector_load %arg14[%get3A_79, %get3A_80] {strides = array<i32>} : memref<64x128xf32, #tpu.memory_space<vmem>>, vector<1x16xf32>,
        %get3A_82 = vector.shape_cast %get3A_81 : vector<1x16xf32> to vector<16xf32>
        %get3A_83 = arith.index_cast %scan3A_78 : i32 to index
        %get3A_84 = arith.constant 0 : index
        %get3A_85 = tpu.vector_load %arg13[%get3A_83, %get3A_84] {strides = array<i32>} : memref<64x128xf32, #tpu.memory_space<vmem>>, vector<1x16xf32>,
        %get3A_86 = vector.shape_cast %get3A_85 : vector<1x16xf32> to vector<16xf32>
        %add3A_87 = arith.addf %get3A_82, %get3A_86 : vector<16xf32>
        %add3A_88 = arith.addi %rem3A_71, %scan3A_78 : i32
        %get3A_89 = arith.index_cast %add3A_88 : i32 to index
        %get3A_90 = arith.constant 0 : index
        %get3A_91 = tpu.vector_load %arg10[%get3A_89, %get3A_90] {strides = array<i32>} : memref<512x128xf32, #tpu.memory_space<vmem>>, vector<1x16xf32>,
        %get3A_92 = vector.shape_cast %get3A_91 : vector<1x16xf32> to vector<16xf32>
        %add3A_93 = arith.addf %add3A_87, %get3A_92 : vector<16xf32>
        %get3A_94 = arith.index_cast %scan3A_78 : i32 to index
        %get3A_95 = arith.constant 16 : index
        %get3A_96 = tpu.vector_load %arg14[%get3A_94, %get3A_95] {strides = array<i32>} : memref<64x128xf32, #tpu.memory_space<vmem>>, vector<1x16xf32>,
        %get3A_97 = vector.shape_cast %get3A_96 : vector<1x16xf32> to vector<16xf32>
        %get3A_98 = arith.index_cast %scan3A_78 : i32 to index
        %get3A_99 = arith.constant 16 : index
        %get3A_100 = tpu.vector_load %arg13[%get3A_98, %get3A_99] {strides = array<i32>} : memref<64x128xf32, #tpu.memory_space<vmem>>, vector<1x16xf32>,
        %get3A_101 = vector.shape_cast %get3A_100 : vector<1x16xf32> to vector<16xf32>
        %add3A_102 = arith.addf %get3A_97, %get3A_101 : vector<16xf32>
        %add3A_103 = arith.addi %rem3A_71, %scan3A_78 : i32
        %get3A_104 = arith.index_cast %add3A_103 : i32 to index
        %get3A_105 = arith.constant 16 : index
        %get3A_106 = tpu.vector_load %arg10[%get3A_104, %get3A_105] {strides = array<i32>} : memref<512x128xf32, #tpu.memory_space<vmem>>, vector<1x16xf32>,
        %get3A_107 = vector.shape_cast %get3A_106 : vector<1x16xf32> to vector<16xf32>
        %add3A_108 = arith.addf %add3A_102, %get3A_107 : vector<16xf32>
        %get3A_109 = arith.index_cast %scan3A_78 : i32 to index
        %get3A_110 = arith.constant 32 : index
        %get3A_111 = tpu.vector_load %arg14[%get3A_109, %get3A_110] {strides = array<i32>} : memref<64x128xf32, #tpu.memory_space<vmem>>, vector<1x16xf32>,
        %get3A_112 = vector.shape_cast %get3A_111 : vector<1x16xf32> to vector<16xf32>
        %get3A_113 = arith.index_cast %scan3A_78 : i32 to index
        %get3A_114 = arith.constant 32 : index
        %get3A_115 = tpu.vector_load %arg13[%get3A_113, %get3A_114] {strides = array<i32>} : memref<64x128xf32, #tpu.memory_space<vmem>>, vector<1x16xf32>,
        %get3A_116 = vector.shape_cast %get3A_115 : vector<1x16xf32> to vector<16xf32>
        %add3A_117 = arith.addf %get3A_112, %get3A_116 : vector<16xf32>
        %add3A_118 = arith.addi %rem3A_71, %scan3A_78 : i32
        %get3A_119 = arith.index_cast %add3A_118 : i32 to index
        %get3A_120 = arith.constant 32 : index
        %get3A_121 = tpu.vector_load %arg10[%get3A_119, %get3A_120] {strides = array<i32>} : memref<512x128xf32, #tpu.memory_space<vmem>>, vector<1x16xf32>,
        %get3A_122 = vector.shape_cast %get3A_121 : vector<1x16xf32> to vector<16xf32>
        %add3A_123 = arith.addf %add3A_117, %get3A_122 : vector<16xf32>
        %get3A_124 = arith.index_cast %scan3A_78 : i32 to index
        %get3A_125 = arith.constant 48 : index
        %get3A_126 = tpu.vector_load %arg14[%get3A_124, %get3A_125] {strides = array<i32>} : memref<64x128xf32, #tpu.memory_space<vmem>>, vector<1x16xf32>,
        %get3A_127 = vector.shape_cast %get3A_126 : vector<1x16xf32> to vector<16xf32>
        %get3A_128 = arith.index_cast %scan3A_78 : i32 to index
        %get3A_129 = arith.constant 48 : index
        %get3A_130 = tpu.vector_load %arg13[%get3A_128, %get3A_129] {strides = array<i32>} : memref<64x128xf32, #tpu.memory_space<vmem>>, vector<1x16xf32>,
        %get3A_131 = vector.shape_cast %get3A_130 : vector<1x16xf32> to vector<16xf32>
        %add3A_132 = arith.addf %get3A_127, %get3A_131 : vector<16xf32>
        %add3A_133 = arith.addi %rem3A_71, %scan3A_78 : i32
        %get3A_134 = arith.index_cast %add3A_133 : i32 to index
        %get3A_135 = arith.constant 48 : index
        %get3A_136 = tpu.vector_load %arg10[%get3A_134, %get3A_135] {strides = array<i32>} : memref<512x128xf32, #tpu.memory_space<vmem>>, vector<1x16xf32>,
        %get3A_137 = vector.shape_cast %get3A_136 : vector<1x16xf32> to vector<16xf32>
        %add3A_138 = arith.addf %add3A_132, %get3A_137 : vector<16xf32>
        %get3A_139 = arith.index_cast %scan3A_78 : i32 to index
        %get3A_140 = arith.constant 64 : index
        %get3A_141 = tpu.vector_load %arg14[%get3A_139, %get3A_140] {strides = array<i32>} : memref<64x128xf32, #tpu.memory_space<vmem>>, vector<1x16xf32>,
        %get3A_142 = vector.shape_cast %get3A_141 : vector<1x16xf32> to vector<16xf32>
        %get3A_143 = arith.index_cast %scan3A_78 : i32 to index
        %get3A_144 = arith.constant 64 : index
        %get3A_145 = tpu.vector_load %arg13[%get3A_143, %get3A_144] {strides = array<i32>} : memref<64x128xf32, #tpu.memory_space<vmem>>, vector<1x16xf32>,
        %get3A_146 = vector.shape_cast %get3A_145 : vector<1x16xf32> to vector<16xf32>
        %add3A_147 = arith.addf %get3A_142, %get3A_146 : vector<16xf32>
        %add3A_148 = arith.addi %rem3A_71, %scan3A_78 : i32
        %get3A_149 = arith.index_cast %add3A_148 : i32 to index
        %get3A_150 = arith.constant 64 : index
        %get3A_151 = tpu.vector_load %arg10[%get3A_149, %get3A_150] {strides = array<i32>} : memref<512x128xf32, #tpu.memory_space<vmem>>, vector<1x16xf32>,
        %get3A_152 = vector.shape_cast %get3A_151 : vector<1x16xf32> to vector<16xf32>
        %add3A_153 = arith.addf %add3A_147, %get3A_152 : vector<16xf32>
        %get3A_154 = arith.index_cast %scan3A_78 : i32 to index
        %get3A_155 = arith.constant 80 : index
        %get3A_156 = tpu.vector_load %arg14[%get3A_154, %get3A_155] {strides = array<i32>} : memref<64x128xf32, #tpu.memory_space<vmem>>, vector<1x16xf32>,
        %get3A_157 = vector.shape_cast %get3A_156 : vector<1x16xf32> to vector<16xf32>
        %get3A_158 = arith.index_cast %scan3A_78 : i32 to index
        %get3A_159 = arith.constant 80 : index
        %get3A_160 = tpu.vector_load %arg13[%get3A_158, %get3A_159] {strides = array<i32>} : memref<64x128xf32, #tpu.memory_space<vmem>>, vector<1x16xf32>,
        %get3A_161 = vector.shape_cast %get3A_160 : vector<1x16xf32> to vector<16xf32>
        %add3A_162 = arith.addf %get3A_157, %get3A_161 : vector<16xf32>
        %add3A_163 = arith.addi %rem3A_71, %scan3A_78 : i32
        %get3A_164 = arith.index_cast %add3A_163 : i32 to index
        %get3A_165 = arith.constant 80 : index
        %get3A_166 = tpu.vector_load %arg10[%get3A_164, %get3A_165] {strides = array<i32>} : memref<512x128xf32, #tpu.memory_space<vmem>>, vector<1x16xf32>,
        %get3A_167 = vector.shape_cast %get3A_166 : vector<1x16xf32> to vector<16xf32>
        %add3A_168 = arith.addf %add3A_162, %get3A_167 : vector<16xf32>
        %get3A_169 = arith.index_cast %scan3A_78 : i32 to index
        %get3A_170 = arith.constant 96 : index
        %get3A_171 = tpu.vector_load %arg14[%get3A_169, %get3A_170] {strides = array<i32>} : memref<64x128xf32, #tpu.memory_space<vmem>>, vector<1x16xf32>,
        %get3A_172 = vector.shape_cast %get3A_171 : vector<1x16xf32> to vector<16xf32>
        %get3A_173 = arith.index_cast %scan3A_78 : i32 to index
        %get3A_174 = arith.constant 96 : index
        %get3A_175 = tpu.vector_load %arg13[%get3A_173, %get3A_174] {strides = array<i32>} : memref<64x128xf32, #tpu.memory_space<vmem>>, vector<1x16xf32>,
        %get3A_176 = vector.shape_cast %get3A_175 : vector<1x16xf32> to vector<16xf32>
        %add3A_177 = arith.addf %get3A_172, %get3A_176 : vector<16xf32>
        %add3A_178 = arith.addi %rem3A_71, %scan3A_78 : i32
        %get3A_179 = arith.index_cast %add3A_178 : i32 to index
        %get3A_180 = arith.constant 96 : index
        %get3A_181 = tpu.vector_load %arg10[%get3A_179, %get3A_180] {strides = array<i32>} : memref<512x128xf32, #tpu.memory_space<vmem>>, vector<1x16xf32>,
        %get3A_182 = vector.shape_cast %get3A_181 : vector<1x16xf32> to vector<16xf32>
        %add3A_183 = arith.addf %add3A_177, %get3A_182 : vector<16xf32>
        %get3A_184 = arith.index_cast %scan3A_78 : i32 to index
        %get3A_185 = arith.constant 112 : index
        %get3A_186 = tpu.vector_load %arg14[%get3A_184, %get3A_185] {strides = array<i32>} : memref<64x128xf32, #tpu.memory_space<vmem>>, vector<1x16xf32>,
        %get3A_187 = vector.shape_cast %get3A_186 : vector<1x16xf32> to vector<16xf32>
        %get3A_188 = arith.index_cast %scan3A_78 : i32 to index
        %get3A_189 = arith.constant 112 : index
        %get3A_190 = tpu.vector_load %arg13[%get3A_188, %get3A_189] {strides = array<i32>} : memref<64x128xf32, #tpu.memory_space<vmem>>, vector<1x16xf32>,
        %get3A_191 = vector.shape_cast %get3A_190 : vector<1x16xf32> to vector<16xf32>
        %add3A_192 = arith.addf %get3A_187, %get3A_191 : vector<16xf32>
        %add3A_193 = arith.addi %rem3A_71, %scan3A_78 : i32
        %get3A_194 = arith.index_cast %add3A_193 : i32 to index
        %get3A_195 = arith.constant 112 : index
        %get3A_196 = tpu.vector_load %arg10[%get3A_194, %get3A_195] {strides = array<i32>} : memref<512x128xf32, #tpu.memory_space<vmem>>, vector<1x16xf32>,
        %get3A_197 = vector.shape_cast %get3A_196 : vector<1x16xf32> to vector<16xf32>
        %add3A_198 = arith.addf %add3A_192, %get3A_197 : vector<16xf32>
        %add3A_199 = arith.addf %add3A_93, %add3A_108 : vector<16xf32>
        %add3A_200 = arith.addf %add3A_199, %add3A_123 : vector<16xf32>
        %add3A_201 = arith.addf %add3A_200, %add3A_138 : vector<16xf32>
        %add3A_202 = arith.addf %add3A_201, %add3A_153 : vector<16xf32>
        %add3A_203 = arith.addf %add3A_202, %add3A_168 : vector<16xf32>
        %add3A_204 = arith.addf %add3A_203, %add3A_183 : vector<16xf32>
        %add3A_205 = arith.addf %add3A_204, %add3A_198 : vector<16xf32>
        %iota3A = tpu.iota {dimensions = array<i32: 0>} : vector<16xi32>
        %xor3A = arith.constant 1 : i32
        %xor3A_206 = vector.broadcast %xor3A : i32 to vector<16xi32>
        %xor3A_207 = arith.xori %iota3A, %xor3A_206 : vector<16xi32>
        %broadcast_in_dim3A = vector.shape_cast %xor3A_207 : vector<16xi32> to vector<16x1xi32>
        %gather3A = vector.shape_cast %broadcast_in_dim3A : vector<16x1xi32> to vector<16xi32>
        %gather3A_208 = tpu.dynamic_gather %add3A_205[%gather3A] in [0] : vector<16xf32>, vector<16xi32> -> vector<16xf32>
        %add3A_209 = arith.addf %add3A_205, %gather3A_208 : vector<16xf32>
        %xor3A_210 = arith.constant 2 : i32
        %xor3A_211 = vector.broadcast %xor3A_210 : i32 to vector<16xi32>
        %xor3A_212 = arith.xori %iota3A, %xor3A_211 : vector<16xi32>
        %broadcast_in_dim3A_213 = vector.shape_cast %xor3A_212 : vector<16xi32> to vector<16x1xi32>
        %gather3A_214 = vector.shape_cast %broadcast_in_dim3A_213 : vector<16x1xi32> to vector<16xi32>
        %gather3A_215 = tpu.dynamic_gather %add3A_209[%gather3A_214] in [0] : vector<16xf32>, vector<16xi32> -> vector<16xf32>
        %add3A_216 = arith.addf %add3A_209, %gather3A_215 : vector<16xf32>
        %xor3A_217 = arith.constant 4 : i32
        %xor3A_218 = vector.broadcast %xor3A_217 : i32 to vector<16xi32>
        %xor3A_219 = arith.xori %iota3A, %xor3A_218 : vector<16xi32>
        %broadcast_in_dim3A_220 = vector.shape_cast %xor3A_219 : vector<16xi32> to vector<16x1xi32>
        %gather3A_221 = vector.shape_cast %broadcast_in_dim3A_220 : vector<16x1xi32> to vector<16xi32>
        %gather3A_222 = tpu.dynamic_gather %add3A_216[%gather3A_221] in [0] : vector<16xf32>, vector<16xi32> -> vector<16xf32>
        %add3A_223 = arith.addf %add3A_216, %gather3A_222 : vector<16xf32>
        %xor3A_224 = arith.constant 8 : i32
        %xor3A_225 = vector.broadcast %xor3A_224 : i32 to vector<16xi32>
        %xor3A_226 = arith.xori %iota3A, %xor3A_225 : vector<16xi32>
        %broadcast_in_dim3A_227 = vector.shape_cast %xor3A_226 : vector<16xi32> to vector<16x1xi32>
        %gather3A_228 = vector.shape_cast %broadcast_in_dim3A_227 : vector<16x1xi32> to vector<16xi32>
        %gather3A_229 = tpu.dynamic_gather %add3A_223[%gather3A_228] in [0] : vector<16xf32>, vector<16xi32> -> vector<16xf32>
        %add3A_230 = arith.addf %add3A_223, %gather3A_229 : vector<16xf32>
        %mul3A_231 = arith.constant 7.812500e-03 : f32
        %mul3A_232 = vector.broadcast %mul3A_231 : f32 to vector<16xf32>
        %mul3A_233 = arith.mulf %add3A_230, %mul3A_232 : vector<16xf32>
        %sub3A = arith.subf %add3A_93, %mul3A_233 : vector<16xf32>
        %sub3A_234 = arith.subf %add3A_108, %mul3A_233 : vector<16xf32>
        %sub3A_235 = arith.subf %add3A_123, %mul3A_233 : vector<16xf32>
        %sub3A_236 = arith.subf %add3A_138, %mul3A_233 : vector<16xf32>
        %sub3A_237 = arith.subf %add3A_153, %mul3A_233 : vector<16xf32>
        %sub3A_238 = arith.subf %add3A_168, %mul3A_233 : vector<16xf32>
        %sub3A_239 = arith.subf %add3A_183, %mul3A_233 : vector<16xf32>
        %sub3A_240 = arith.subf %add3A_198, %mul3A_233 : vector<16xf32>
        %mul3A_241 = arith.mulf %sub3A, %sub3A : vector<16xf32>
        %mul3A_242 = arith.mulf %sub3A_234, %sub3A_234 : vector<16xf32>
        %add3A_243 = arith.addf %mul3A_241, %mul3A_242 : vector<16xf32>
        %mul3A_244 = arith.mulf %sub3A_235, %sub3A_235 : vector<16xf32>
        %add3A_245 = arith.addf %add3A_243, %mul3A_244 : vector<16xf32>
        %mul3A_246 = arith.mulf %sub3A_236, %sub3A_236 : vector<16xf32>
        %add3A_247 = arith.addf %add3A_245, %mul3A_246 : vector<16xf32>
        %mul3A_248 = arith.mulf %sub3A_237, %sub3A_237 : vector<16xf32>
        %add3A_249 = arith.addf %add3A_247, %mul3A_248 : vector<16xf32>
        %mul3A_250 = arith.mulf %sub3A_238, %sub3A_238 : vector<16xf32>
        %add3A_251 = arith.addf %add3A_249, %mul3A_250 : vector<16xf32>
        %mul3A_252 = arith.mulf %sub3A_239, %sub3A_239 : vector<16xf32>
        %add3A_253 = arith.addf %add3A_251, %mul3A_252 : vector<16xf32>
        %mul3A_254 = arith.mulf %sub3A_240, %sub3A_240 : vector<16xf32>
        %add3A_255 = arith.addf %add3A_253, %mul3A_254 : vector<16xf32>
        %iota3A_256 = tpu.iota {dimensions = array<i32: 0>} : vector<16xi32>
        %xor3A_257 = arith.constant 1 : i32
        %xor3A_258 = vector.broadcast %xor3A_257 : i32 to vector<16xi32>
        %xor3A_259 = arith.xori %iota3A_256, %xor3A_258 : vector<16xi32>
        %broadcast_in_dim3A_260 = vector.shape_cast %xor3A_259 : vector<16xi32> to vector<16x1xi32>
        %gather3A_261 = vector.shape_cast %broadcast_in_dim3A_260 : vector<16x1xi32> to vector<16xi32>
        %gather3A_262 = tpu.dynamic_gather %add3A_255[%gather3A_261] in [0] : vector<16xf32>, vector<16xi32> -> vector<16xf32>
        %add3A_263 = arith.addf %add3A_255, %gather3A_262 : vector<16xf32>
        %xor3A_264 = arith.constant 2 : i32
        %xor3A_265 = vector.broadcast %xor3A_264 : i32 to vector<16xi32>
        %xor3A_266 = arith.xori %iota3A_256, %xor3A_265 : vector<16xi32>
        %broadcast_in_dim3A_267 = vector.shape_cast %xor3A_266 : vector<16xi32> to vector<16x1xi32>
        %gather3A_268 = vector.shape_cast %broadcast_in_dim3A_267 : vector<16x1xi32> to vector<16xi32>
        %gather3A_269 = tpu.dynamic_gather %add3A_263[%gather3A_268] in [0] : vector<16xf32>, vector<16xi32> -> vector<16xf32>
        %add3A_270 = arith.addf %add3A_263, %gather3A_269 : vector<16xf32>
        %xor3A_271 = arith.constant 4 : i32
        %xor3A_272 = vector.broadcast %xor3A_271 : i32 to vector<16xi32>
        %xor3A_273 = arith.xori %iota3A_256, %xor3A_272 : vector<16xi32>
        %broadcast_in_dim3A_274 = vector.shape_cast %xor3A_273 : vector<16xi32> to vector<16x1xi32>
        %gather3A_275 = vector.shape_cast %broadcast_in_dim3A_274 : vector<16x1xi32> to vector<16xi32>
        %gather3A_276 = tpu.dynamic_gather %add3A_270[%gather3A_275] in [0] : vector<16xf32>, vector<16xi32> -> vector<16xf32>
        %add3A_277 = arith.addf %add3A_270, %gather3A_276 : vector<16xf32>
        %xor3A_278 = arith.constant 8 : i32
        %xor3A_279 = vector.broadcast %xor3A_278 : i32 to vector<16xi32>
        %xor3A_280 = arith.xori %iota3A_256, %xor3A_279 : vector<16xi32>
        %broadcast_in_dim3A_281 = vector.shape_cast %xor3A_280 : vector<16xi32> to vector<16x1xi32>
        %gather3A_282 = vector.shape_cast %broadcast_in_dim3A_281 : vector<16x1xi32> to vector<16xi32>
        %gather3A_283 = tpu.dynamic_gather %add3A_277[%gather3A_282] in [0] : vector<16xf32>, vector<16xi32> -> vector<16xf32>
        %add3A_284 = arith.addf %add3A_277, %gather3A_283 : vector<16xf32>
        %mul3A_285 = arith.constant 7.812500e-03 : f32
        %mul3A_286 = vector.broadcast %mul3A_285 : f32 to vector<16xf32>
        %mul3A_287 = arith.mulf %add3A_284, %mul3A_286 : vector<16xf32>
        %add3A_288 = arith.constant 9.99999996E-13 : f32
        %add3A_289 = vector.broadcast %add3A_288 : f32 to vector<16xf32>
        %add3A_290 = arith.addf %mul3A_287, %add3A_289 : vector<16xf32>
        %bitcast_convert_type3A = tpu.bitcast %add3A_290 : vector<16xf32> -> vector<16xi32>
        %shift_right_logical3A = arith.constant 1 : i32
        %shift_right_logical3A_291 = vector.broadcast %shift_right_logical3A : i32 to vector<16xi32>
        %shift_right_logical3A_292 = arith.shrui %bitcast_convert_type3A, %shift_right_logical3A_291 : vector<16xi32>
        %sub3A_293 = arith.constant 1597463007 : i32
        %sub3A_294 = vector.broadcast %sub3A_293 : i32 to vector<16xi32>
        %sub3A_295 = arith.subi %sub3A_294, %shift_right_logical3A_292 : vector<16xi32>
        %bitcast_convert_type3A_296 = tpu.bitcast %sub3A_295 : vector<16xi32> -> vector<16xf32>
        %mul3A_297 = arith.constant 5.000000e-01 : f32
        %mul3A_298 = vector.broadcast %mul3A_297 : f32 to vector<16xf32>
        %mul3A_299 = arith.mulf %add3A_290, %mul3A_298 : vector<16xf32>
        %mul3A_300 = arith.mulf %mul3A_299, %bitcast_convert_type3A_296 : vector<16xf32>
        %mul3A_301 = arith.mulf %mul3A_300, %bitcast_convert_type3A_296 : vector<16xf32>
        %sub3A_302 = arith.constant 1.500000e+00 : f32
        %sub3A_303 = vector.broadcast %sub3A_302 : f32 to vector<16xf32>
        %sub3A_304 = arith.subf %sub3A_303, %mul3A_301 : vector<16xf32>
        %mul3A_305 = arith.mulf %bitcast_convert_type3A_296, %sub3A_304 : vector<16xf32>
        %mul3A_306 = arith.mulf %mul3A_299, %mul3A_305 : vector<16xf32>
        %mul3A_307 = arith.mulf %mul3A_306, %mul3A_305 : vector<16xf32>
        %sub3A_308 = arith.constant 1.500000e+00 : f32
        %sub3A_309 = vector.broadcast %sub3A_308 : f32 to vector<16xf32>
        %sub3A_310 = arith.subf %sub3A_309, %mul3A_307 : vector<16xf32>
        %mul3A_311 = arith.mulf %mul3A_305, %sub3A_310 : vector<16xf32>
        %mul3A_312 = arith.mulf %mul3A_299, %mul3A_311 : vector<16xf32>
        %mul3A_313 = arith.mulf %mul3A_312, %mul3A_311 : vector<16xf32>
        %sub3A_314 = arith.constant 1.500000e+00 : f32
        %sub3A_315 = vector.broadcast %sub3A_314 : f32 to vector<16xf32>
        %sub3A_316 = arith.subf %sub3A_315, %mul3A_313 : vector<16xf32>
        %mul3A_317 = arith.mulf %mul3A_311, %sub3A_316 : vector<16xf32>
        %mul3A_318 = arith.mulf %sub3A, %mul3A_317 : vector<16xf32>
        %mul3A_319 = arith.mulf %mul3A_318, %get3A_4 : vector<16xf32>
        %add3A_320 = arith.addf %mul3A_319, %get3A_28 : vector<16xf32>
        %swap3A = arith.index_cast %scan3A_78 : i32 to index
        %swap3A_321 = arith.constant 0 : index
        %swap3A_322 = tpu.vector_load %arg15[%swap3A, %swap3A_321] {strides = array<i32>} : memref<64x128xf32, #tpu.memory_space<vmem>>, vector<1x16xf32>,
        %swap3A_323 = vector.shape_cast %swap3A_322 : vector<1x16xf32> to vector<16xf32>
        %swap3A_324 = vector.shape_cast %add3A_320 : vector<16xf32> to vector<1x16xf32>
        tpu.vector_store %arg15[%swap3A, %swap3A_321], %swap3A_324 {strides = array<i32>} : memref<64x128xf32, #tpu.memory_space<vmem>>, vector<1x16xf32>,
        %mul3A_325 = arith.mulf %sub3A_234, %mul3A_317 : vector<16xf32>
        %mul3A_326 = arith.mulf %mul3A_325, %get3A_7 : vector<16xf32>
        %add3A_327 = arith.addf %mul3A_326, %get3A_31 : vector<16xf32>
        %swap3A_328 = arith.index_cast %scan3A_78 : i32 to index
        %swap3A_329 = arith.constant 16 : index
        %swap3A_330 = tpu.vector_load %arg15[%swap3A_328, %swap3A_329] {strides = array<i32>} : memref<64x128xf32, #tpu.memory_space<vmem>>, vector<1x16xf32>,
        %swap3A_331 = vector.shape_cast %swap3A_330 : vector<1x16xf32> to vector<16xf32>
        %swap3A_332 = vector.shape_cast %add3A_327 : vector<16xf32> to vector<1x16xf32>
        tpu.vector_store %arg15[%swap3A_328, %swap3A_329], %swap3A_332 {strides = array<i32>} : memref<64x128xf32, #tpu.memory_space<vmem>>, vector<1x16xf32>,
        %mul3A_333 = arith.mulf %sub3A_235, %mul3A_317 : vector<16xf32>
        %mul3A_334 = arith.mulf %mul3A_333, %get3A_10 : vector<16xf32>
        %add3A_335 = arith.addf %mul3A_334, %get3A_34 : vector<16xf32>
        %swap3A_336 = arith.index_cast %scan3A_78 : i32 to index
        %swap3A_337 = arith.constant 32 : index
        %swap3A_338 = tpu.vector_load %arg15[%swap3A_336, %swap3A_337] {strides = array<i32>} : memref<64x128xf32, #tpu.memory_space<vmem>>, vector<1x16xf32>,
        %swap3A_339 = vector.shape_cast %swap3A_338 : vector<1x16xf32> to vector<16xf32>
        %swap3A_340 = vector.shape_cast %add3A_335 : vector<16xf32> to vector<1x16xf32>
        tpu.vector_store %arg15[%swap3A_336, %swap3A_337], %swap3A_340 {strides = array<i32>} : memref<64x128xf32, #tpu.memory_space<vmem>>, vector<1x16xf32>,
        %mul3A_341 = arith.mulf %sub3A_236, %mul3A_317 : vector<16xf32>
        %mul3A_342 = arith.mulf %mul3A_341, %get3A_13 : vector<16xf32>
        %add3A_343 = arith.addf %mul3A_342, %get3A_37 : vector<16xf32>
        %swap3A_344 = arith.index_cast %scan3A_78 : i32 to index
        %swap3A_345 = arith.constant 48 : index
        %swap3A_346 = tpu.vector_load %arg15[%swap3A_344, %swap3A_345] {strides = array<i32>} : memref<64x128xf32, #tpu.memory_space<vmem>>, vector<1x16xf32>,
        %swap3A_347 = vector.shape_cast %swap3A_346 : vector<1x16xf32> to vector<16xf32>
        %swap3A_348 = vector.shape_cast %add3A_343 : vector<16xf32> to vector<1x16xf32>
        tpu.vector_store %arg15[%swap3A_344, %swap3A_345], %swap3A_348 {strides = array<i32>} : memref<64x128xf32, #tpu.memory_space<vmem>>, vector<1x16xf32>,
        %mul3A_349 = arith.mulf %sub3A_237, %mul3A_317 : vector<16xf32>
        %mul3A_350 = arith.mulf %mul3A_349, %get3A_16 : vector<16xf32>
        %add3A_351 = arith.addf %mul3A_350, %get3A_40 : vector<16xf32>
        %swap3A_352 = arith.index_cast %scan3A_78 : i32 to index
        %swap3A_353 = arith.constant 64 : index
        %swap3A_354 = tpu.vector_load %arg15[%swap3A_352, %swap3A_353] {strides = array<i32>} : memref<64x128xf32, #tpu.memory_space<vmem>>, vector<1x16xf32>,
        %swap3A_355 = vector.shape_cast %swap3A_354 : vector<1x16xf32> to vector<16xf32>
        %swap3A_356 = vector.shape_cast %add3A_351 : vector<16xf32> to vector<1x16xf32>
        tpu.vector_store %arg15[%swap3A_352, %swap3A_353], %swap3A_356 {strides = array<i32>} : memref<64x128xf32, #tpu.memory_space<vmem>>, vector<1x16xf32>,
        %mul3A_357 = arith.mulf %sub3A_238, %mul3A_317 : vector<16xf32>
        %mul3A_358 = arith.mulf %mul3A_357, %get3A_19 : vector<16xf32>
        %add3A_359 = arith.addf %mul3A_358, %get3A_43 : vector<16xf32>
        %swap3A_360 = arith.index_cast %scan3A_78 : i32 to index
        %swap3A_361 = arith.constant 80 : index
        %swap3A_362 = tpu.vector_load %arg15[%swap3A_360, %swap3A_361] {strides = array<i32>} : memref<64x128xf32, #tpu.memory_space<vmem>>, vector<1x16xf32>,
        %swap3A_363 = vector.shape_cast %swap3A_362 : vector<1x16xf32> to vector<16xf32>
        %swap3A_364 = vector.shape_cast %add3A_359 : vector<16xf32> to vector<1x16xf32>
        tpu.vector_store %arg15[%swap3A_360, %swap3A_361], %swap3A_364 {strides = array<i32>} : memref<64x128xf32, #tpu.memory_space<vmem>>, vector<1x16xf32>,
        %mul3A_365 = arith.mulf %sub3A_239, %mul3A_317 : vector<16xf32>
        %mul3A_366 = arith.mulf %mul3A_365, %get3A_22 : vector<16xf32>
        %add3A_367 = arith.addf %mul3A_366, %get3A_46 : vector<16xf32>
        %swap3A_368 = arith.index_cast %scan3A_78 : i32 to index
        %swap3A_369 = arith.constant 96 : index
        %swap3A_370 = tpu.vector_load %arg15[%swap3A_368, %swap3A_369] {strides = array<i32>} : memref<64x128xf32, #tpu.memory_space<vmem>>, vector<1x16xf32>,
        %swap3A_371 = vector.shape_cast %swap3A_370 : vector<1x16xf32> to vector<16xf32>
        %swap3A_372 = vector.shape_cast %add3A_367 : vector<16xf32> to vector<1x16xf32>
        tpu.vector_store %arg15[%swap3A_368, %swap3A_369], %swap3A_372 {strides = array<i32>} : memref<64x128xf32, #tpu.memory_space<vmem>>, vector<1x16xf32>,
        %mul3A_373 = arith.mulf %sub3A_240, %mul3A_317 : vector<16xf32>
        %mul3A_374 = arith.mulf %mul3A_373, %get3A_25 : vector<16xf32>
        %add3A_375 = arith.addf %mul3A_374, %get3A_49 : vector<16xf32>
        %swap3A_376 = arith.index_cast %scan3A_78 : i32 to index
        %swap3A_377 = arith.constant 112 : index
        %swap3A_378 = tpu.vector_load %arg15[%swap3A_376, %swap3A_377] {strides = array<i32>} : memref<64x128xf32, #tpu.memory_space<vmem>>, vector<1x16xf32>,
        %swap3A_379 = vector.shape_cast %swap3A_378 : vector<1x16xf32> to vector<16xf32>
        %swap3A_380 = vector.shape_cast %add3A_375 : vector<16xf32> to vector<1x16xf32>
        tpu.vector_store %arg15[%swap3A_376, %swap3A_377], %swap3A_380 {strides = array<i32>} : memref<64x128xf32, #tpu.memory_space<vmem>>, vector<1x16xf32>,
        %scan3A_381 = arith.constant 1 : i32
        %scan3A_382 = arith.addi %scan3A_78, %scan3A_381 : i32
        %get3A_383 = arith.index_cast %scan3A_382 : i32 to index
        %get3A_384 = arith.constant 0 : index
        %get3A_385 = tpu.vector_load %arg14[%get3A_383, %get3A_384] {strides = array<i32>} : memref<64x128xf32, #tpu.memory_space<vmem>>, vector<1x16xf32>,
        %get3A_386 = vector.shape_cast %get3A_385 : vector<1x16xf32> to vector<16xf32>
        %get3A_387 = arith.index_cast %scan3A_382 : i32 to index
        %get3A_388 = arith.constant 0 : index
        %get3A_389 = tpu.vector_load %arg13[%get3A_387, %get3A_388] {strides = array<i32>} : memref<64x128xf32, #tpu.memory_space<vmem>>, vector<1x16xf32>,
        %get3A_390 = vector.shape_cast %get3A_389 : vector<1x16xf32> to vector<16xf32>
        %add3A_391 = arith.addf %get3A_386, %get3A_390 : vector<16xf32>
        %add3A_392 = arith.addi %rem3A_71, %scan3A_382 : i32
        %get3A_393 = arith.index_cast %add3A_392 : i32 to index
        %get3A_394 = arith.constant 0 : index
        %get3A_395 = tpu.vector_load %arg10[%get3A_393, %get3A_394] {strides = array<i32>} : memref<512x128xf32, #tpu.memory_space<vmem>>, vector<1x16xf32>,
        %get3A_396 = vector.shape_cast %get3A_395 : vector<1x16xf32> to vector<16xf32>
        %add3A_397 = arith.addf %add3A_391, %get3A_396 : vector<16xf32>
        %get3A_398 = arith.index_cast %scan3A_382 : i32 to index
        %get3A_399 = arith.constant 16 : index
        %get3A_400 = tpu.vector_load %arg14[%get3A_398, %get3A_399] {strides = array<i32>} : memref<64x128xf32, #tpu.memory_space<vmem>>, vector<1x16xf32>,
        %get3A_401 = vector.shape_cast %get3A_400 : vector<1x16xf32> to vector<16xf32>
        %get3A_402 = arith.index_cast %scan3A_382 : i32 to index
        %get3A_403 = arith.constant 16 : index
        %get3A_404 = tpu.vector_load %arg13[%get3A_402, %get3A_403] {strides = array<i32>} : memref<64x128xf32, #tpu.memory_space<vmem>>, vector<1x16xf32>,
        %get3A_405 = vector.shape_cast %get3A_404 : vector<1x16xf32> to vector<16xf32>
        %add3A_406 = arith.addf %get3A_401, %get3A_405 : vector<16xf32>
        %add3A_407 = arith.addi %rem3A_71, %scan3A_382 : i32
        %get3A_408 = arith.index_cast %add3A_407 : i32 to index
        %get3A_409 = arith.constant 16 : index
        %get3A_410 = tpu.vector_load %arg10[%get3A_408, %get3A_409] {strides = array<i32>} : memref<512x128xf32, #tpu.memory_space<vmem>>, vector<1x16xf32>,
        %get3A_411 = vector.shape_cast %get3A_410 : vector<1x16xf32> to vector<16xf32>
        %add3A_412 = arith.addf %add3A_406, %get3A_411 : vector<16xf32>
        %get3A_413 = arith.index_cast %scan3A_382 : i32 to index
        %get3A_414 = arith.constant 32 : index
        %get3A_415 = tpu.vector_load %arg14[%get3A_413, %get3A_414] {strides = array<i32>} : memref<64x128xf32, #tpu.memory_space<vmem>>, vector<1x16xf32>,
        %get3A_416 = vector.shape_cast %get3A_415 : vector<1x16xf32> to vector<16xf32>
        %get3A_417 = arith.index_cast %scan3A_382 : i32 to index
        %get3A_418 = arith.constant 32 : index
        %get3A_419 = tpu.vector_load %arg13[%get3A_417, %get3A_418] {strides = array<i32>} : memref<64x128xf32, #tpu.memory_space<vmem>>, vector<1x16xf32>,
        %get3A_420 = vector.shape_cast %get3A_419 : vector<1x16xf32> to vector<16xf32>
        %add3A_421 = arith.addf %get3A_416, %get3A_420 : vector<16xf32>
        %add3A_422 = arith.addi %rem3A_71, %scan3A_382 : i32
        %get3A_423 = arith.index_cast %add3A_422 : i32 to index
        %get3A_424 = arith.constant 32 : index
        %get3A_425 = tpu.vector_load %arg10[%get3A_423, %get3A_424] {strides = array<i32>} : memref<512x128xf32, #tpu.memory_space<vmem>>, vector<1x16xf32>,
        %get3A_426 = vector.shape_cast %get3A_425 : vector<1x16xf32> to vector<16xf32>
        %add3A_427 = arith.addf %add3A_421, %get3A_426 : vector<16xf32>
        %get3A_428 = arith.index_cast %scan3A_382 : i32 to index
        %get3A_429 = arith.constant 48 : index
        %get3A_430 = tpu.vector_load %arg14[%get3A_428, %get3A_429] {strides = array<i32>} : memref<64x128xf32, #tpu.memory_space<vmem>>, vector<1x16xf32>,
        %get3A_431 = vector.shape_cast %get3A_430 : vector<1x16xf32> to vector<16xf32>
        %get3A_432 = arith.index_cast %scan3A_382 : i32 to index
        %get3A_433 = arith.constant 48 : index
        %get3A_434 = tpu.vector_load %arg13[%get3A_432, %get3A_433] {strides = array<i32>} : memref<64x128xf32, #tpu.memory_space<vmem>>, vector<1x16xf32>,
        %get3A_435 = vector.shape_cast %get3A_434 : vector<1x16xf32> to vector<16xf32>
        %add3A_436 = arith.addf %get3A_431, %get3A_435 : vector<16xf32>
        %add3A_437 = arith.addi %rem3A_71, %scan3A_382 : i32
        %get3A_438 = arith.index_cast %add3A_437 : i32 to index
        %get3A_439 = arith.constant 48 : index
        %get3A_440 = tpu.vector_load %arg10[%get3A_438, %get3A_439] {strides = array<i32>} : memref<512x128xf32, #tpu.memory_space<vmem>>, vector<1x16xf32>,
        %get3A_441 = vector.shape_cast %get3A_440 : vector<1x16xf32> to vector<16xf32>
        %add3A_442 = arith.addf %add3A_436, %get3A_441 : vector<16xf32>
        %get3A_443 = arith.index_cast %scan3A_382 : i32 to index
        %get3A_444 = arith.constant 64 : index
        %get3A_445 = tpu.vector_load %arg14[%get3A_443, %get3A_444] {strides = array<i32>} : memref<64x128xf32, #tpu.memory_space<vmem>>, vector<1x16xf32>,
        %get3A_446 = vector.shape_cast %get3A_445 : vector<1x16xf32> to vector<16xf32>
        %get3A_447 = arith.index_cast %scan3A_382 : i32 to index
        %get3A_448 = arith.constant 64 : index
        %get3A_449 = tpu.vector_load %arg13[%get3A_447, %get3A_448] {strides = array<i32>} : memref<64x128xf32, #tpu.memory_space<vmem>>, vector<1x16xf32>,
        %get3A_450 = vector.shape_cast %get3A_449 : vector<1x16xf32> to vector<16xf32>
        %add3A_451 = arith.addf %get3A_446, %get3A_450 : vector<16xf32>
        %add3A_452 = arith.addi %rem3A_71, %scan3A_382 : i32
        %get3A_453 = arith.index_cast %add3A_452 : i32 to index
        %get3A_454 = arith.constant 64 : index
        %get3A_455 = tpu.vector_load %arg10[%get3A_453, %get3A_454] {strides = array<i32>} : memref<512x128xf32, #tpu.memory_space<vmem>>, vector<1x16xf32>,
        %get3A_456 = vector.shape_cast %get3A_455 : vector<1x16xf32> to vector<16xf32>
        %add3A_457 = arith.addf %add3A_451, %get3A_456 : vector<16xf32>
        %get3A_458 = arith.index_cast %scan3A_382 : i32 to index
        %get3A_459 = arith.constant 80 : index
        %get3A_460 = tpu.vector_load %arg14[%get3A_458, %get3A_459] {strides = array<i32>} : memref<64x128xf32, #tpu.memory_space<vmem>>, vector<1x16xf32>,
        %get3A_461 = vector.shape_cast %get3A_460 : vector<1x16xf32> to vector<16xf32>
        %get3A_462 = arith.index_cast %scan3A_382 : i32 to index
        %get3A_463 = arith.constant 80 : index
        %get3A_464 = tpu.vector_load %arg13[%get3A_462, %get3A_463] {strides = array<i32>} : memref<64x128xf32, #tpu.memory_space<vmem>>, vector<1x16xf32>,
        %get3A_465 = vector.shape_cast %get3A_464 : vector<1x16xf32> to vector<16xf32>
        %add3A_466 = arith.addf %get3A_461, %get3A_465 : vector<16xf32>
        %add3A_467 = arith.addi %rem3A_71, %scan3A_382 : i32
        %get3A_468 = arith.index_cast %add3A_467 : i32 to index
        %get3A_469 = arith.constant 80 : index
        %get3A_470 = tpu.vector_load %arg10[%get3A_468, %get3A_469] {strides = array<i32>} : memref<512x128xf32, #tpu.memory_space<vmem>>, vector<1x16xf32>,
        %get3A_471 = vector.shape_cast %get3A_470 : vector<1x16xf32> to vector<16xf32>
        %add3A_472 = arith.addf %add3A_466, %get3A_471 : vector<16xf32>
        %get3A_473 = arith.index_cast %scan3A_382 : i32 to index
        %get3A_474 = arith.constant 96 : index
        %get3A_475 = tpu.vector_load %arg14[%get3A_473, %get3A_474] {strides = array<i32>} : memref<64x128xf32, #tpu.memory_space<vmem>>, vector<1x16xf32>,
        %get3A_476 = vector.shape_cast %get3A_475 : vector<1x16xf32> to vector<16xf32>
        %get3A_477 = arith.index_cast %scan3A_382 : i32 to index
        %get3A_478 = arith.constant 96 : index
        %get3A_479 = tpu.vector_load %arg13[%get3A_477, %get3A_478] {strides = array<i32>} : memref<64x128xf32, #tpu.memory_space<vmem>>, vector<1x16xf32>,
        %get3A_480 = vector.shape_cast %get3A_479 : vector<1x16xf32> to vector<16xf32>
        %add3A_481 = arith.addf %get3A_476, %get3A_480 : vector<16xf32>
        %add3A_482 = arith.addi %rem3A_71, %scan3A_382 : i32
        %get3A_483 = arith.index_cast %add3A_482 : i32 to index
        %get3A_484 = arith.constant 96 : index
        %get3A_485 = tpu.vector_load %arg10[%get3A_483, %get3A_484] {strides = array<i32>} : memref<512x128xf32, #tpu.memory_space<vmem>>, vector<1x16xf32>,
        %get3A_486 = vector.shape_cast %get3A_485 : vector<1x16xf32> to vector<16xf32>
        %add3A_487 = arith.addf %add3A_481, %get3A_486 : vector<16xf32>
        %get3A_488 = arith.index_cast %scan3A_382 : i32 to index
        %get3A_489 = arith.constant 112 : index
        %get3A_490 = tpu.vector_load %arg14[%get3A_488, %get3A_489] {strides = array<i32>} : memref<64x128xf32, #tpu.memory_space<vmem>>, vector<1x16xf32>,
        %get3A_491 = vector.shape_cast %get3A_490 : vector<1x16xf32> to vector<16xf32>
        %get3A_492 = arith.index_cast %scan3A_382 : i32 to index
        %get3A_493 = arith.constant 112 : index
        %get3A_494 = tpu.vector_load %arg13[%get3A_492, %get3A_493] {strides = array<i32>} : memref<64x128xf32, #tpu.memory_space<vmem>>, vector<1x16xf32>,
        %get3A_495 = vector.shape_cast %get3A_494 : vector<1x16xf32> to vector<16xf32>
        %add3A_496 = arith.addf %get3A_491, %get3A_495 : vector<16xf32>
        %add3A_497 = arith.addi %rem3A_71, %scan3A_382 : i32
        %get3A_498 = arith.index_cast %add3A_497 : i32 to index
        %get3A_499 = arith.constant 112 : index
        %get3A_500 = tpu.vector_load %arg10[%get3A_498, %get3A_499] {strides = array<i32>} : memref<512x128xf32, #tpu.memory_space<vmem>>, vector<1x16xf32>,
        %get3A_501 = vector.shape_cast %get3A_500 : vector<1x16xf32> to vector<16xf32>
        %add3A_502 = arith.addf %add3A_496, %get3A_501 : vector<16xf32>
        %add3A_503 = arith.addf %add3A_397, %add3A_412 : vector<16xf32>
        %add3A_504 = arith.addf %add3A_503, %add3A_427 : vector<16xf32>
        %add3A_505 = arith.addf %add3A_504, %add3A_442 : vector<16xf32>
        %add3A_506 = arith.addf %add3A_505, %add3A_457 : vector<16xf32>
        %add3A_507 = arith.addf %add3A_506, %add3A_472 : vector<16xf32>
        %add3A_508 = arith.addf %add3A_507, %add3A_487 : vector<16xf32>
        %add3A_509 = arith.addf %add3A_508, %add3A_502 : vector<16xf32>
        %iota3A_510 = tpu.iota {dimensions = array<i32: 0>} : vector<16xi32>
        %xor3A_511 = arith.constant 1 : i32
        %xor3A_512 = vector.broadcast %xor3A_511 : i32 to vector<16xi32>
        %xor3A_513 = arith.xori %iota3A_510, %xor3A_512 : vector<16xi32>
        %broadcast_in_dim3A_514 = vector.shape_cast %xor3A_513 : vector<16xi32> to vector<16x1xi32>
        %gather3A_515 = vector.shape_cast %broadcast_in_dim3A_514 : vector<16x1xi32> to vector<16xi32>
        %gather3A_516 = tpu.dynamic_gather %add3A_509[%gather3A_515] in [0] : vector<16xf32>, vector<16xi32> -> vector<16xf32>
        %add3A_517 = arith.addf %add3A_509, %gather3A_516 : vector<16xf32>
        %xor3A_518 = arith.constant 2 : i32
        %xor3A_519 = vector.broadcast %xor3A_518 : i32 to vector<16xi32>
        %xor3A_520 = arith.xori %iota3A_510, %xor3A_519 : vector<16xi32>
        %broadcast_in_dim3A_521 = vector.shape_cast %xor3A_520 : vector<16xi32> to vector<16x1xi32>
        %gather3A_522 = vector.shape_cast %broadcast_in_dim3A_521 : vector<16x1xi32> to vector<16xi32>
        %gather3A_523 = tpu.dynamic_gather %add3A_517[%gather3A_522] in [0] : vector<16xf32>, vector<16xi32> -> vector<16xf32>
        %add3A_524 = arith.addf %add3A_517, %gather3A_523 : vector<16xf32>
        %xor3A_525 = arith.constant 4 : i32
        %xor3A_526 = vector.broadcast %xor3A_525 : i32 to vector<16xi32>
        %xor3A_527 = arith.xori %iota3A_510, %xor3A_526 : vector<16xi32>
        %broadcast_in_dim3A_528 = vector.shape_cast %xor3A_527 : vector<16xi32> to vector<16x1xi32>
        %gather3A_529 = vector.shape_cast %broadcast_in_dim3A_528 : vector<16x1xi32> to vector<16xi32>
        %gather3A_530 = tpu.dynamic_gather %add3A_524[%gather3A_529] in [0] : vector<16xf32>, vector<16xi32> -> vector<16xf32>
        %add3A_531 = arith.addf %add3A_524, %gather3A_530 : vector<16xf32>
        %xor3A_532 = arith.constant 8 : i32
        %xor3A_533 = vector.broadcast %xor3A_532 : i32 to vector<16xi32>
        %xor3A_534 = arith.xori %iota3A_510, %xor3A_533 : vector<16xi32>
        %broadcast_in_dim3A_535 = vector.shape_cast %xor3A_534 : vector<16xi32> to vector<16x1xi32>
        %gather3A_536 = vector.shape_cast %broadcast_in_dim3A_535 : vector<16x1xi32> to vector<16xi32>
        %gather3A_537 = tpu.dynamic_gather %add3A_531[%gather3A_536] in [0] : vector<16xf32>, vector<16xi32> -> vector<16xf32>
        %add3A_538 = arith.addf %add3A_531, %gather3A_537 : vector<16xf32>
        %mul3A_539 = arith.constant 7.812500e-03 : f32
        %mul3A_540 = vector.broadcast %mul3A_539 : f32 to vector<16xf32>
        %mul3A_541 = arith.mulf %add3A_538, %mul3A_540 : vector<16xf32>
        %sub3A_542 = arith.subf %add3A_397, %mul3A_541 : vector<16xf32>
        %sub3A_543 = arith.subf %add3A_412, %mul3A_541 : vector<16xf32>
        %sub3A_544 = arith.subf %add3A_427, %mul3A_541 : vector<16xf32>
        %sub3A_545 = arith.subf %add3A_442, %mul3A_541 : vector<16xf32>
        %sub3A_546 = arith.subf %add3A_457, %mul3A_541 : vector<16xf32>
        %sub3A_547 = arith.subf %add3A_472, %mul3A_541 : vector<16xf32>
        %sub3A_548 = arith.subf %add3A_487, %mul3A_541 : vector<16xf32>
        %sub3A_549 = arith.subf %add3A_502, %mul3A_541 : vector<16xf32>
        %mul3A_550 = arith.mulf %sub3A_542, %sub3A_542 : vector<16xf32>
        %mul3A_551 = arith.mulf %sub3A_543, %sub3A_543 : vector<16xf32>
        %add3A_552 = arith.addf %mul3A_550, %mul3A_551 : vector<16xf32>
        %mul3A_553 = arith.mulf %sub3A_544, %sub3A_544 : vector<16xf32>
        %add3A_554 = arith.addf %add3A_552, %mul3A_553 : vector<16xf32>
        %mul3A_555 = arith.mulf %sub3A_545, %sub3A_545 : vector<16xf32>
        %add3A_556 = arith.addf %add3A_554, %mul3A_555 : vector<16xf32>
        %mul3A_557 = arith.mulf %sub3A_546, %sub3A_546 : vector<16xf32>
        %add3A_558 = arith.addf %add3A_556, %mul3A_557 : vector<16xf32>
        %mul3A_559 = arith.mulf %sub3A_547, %sub3A_547 : vector<16xf32>
        %add3A_560 = arith.addf %add3A_558, %mul3A_559 : vector<16xf32>
        %mul3A_561 = arith.mulf %sub3A_548, %sub3A_548 : vector<16xf32>
        %add3A_562 = arith.addf %add3A_560, %mul3A_561 : vector<16xf32>
        %mul3A_563 = arith.mulf %sub3A_549, %sub3A_549 : vector<16xf32>
        %add3A_564 = arith.addf %add3A_562, %mul3A_563 : vector<16xf32>
        %iota3A_565 = tpu.iota {dimensions = array<i32: 0>} : vector<16xi32>
        %xor3A_566 = arith.constant 1 : i32
        %xor3A_567 = vector.broadcast %xor3A_566 : i32 to vector<16xi32>
        %xor3A_568 = arith.xori %iota3A_565, %xor3A_567 : vector<16xi32>
        %broadcast_in_dim3A_569 = vector.shape_cast %xor3A_568 : vector<16xi32> to vector<16x1xi32>
        %gather3A_570 = vector.shape_cast %broadcast_in_dim3A_569 : vector<16x1xi32> to vector<16xi32>
        %gather3A_571 = tpu.dynamic_gather %add3A_564[%gather3A_570] in [0] : vector<16xf32>, vector<16xi32> -> vector<16xf32>
        %add3A_572 = arith.addf %add3A_564, %gather3A_571 : vector<16xf32>
        %xor3A_573 = arith.constant 2 : i32
        %xor3A_574 = vector.broadcast %xor3A_573 : i32 to vector<16xi32>
        %xor3A_575 = arith.xori %iota3A_565, %xor3A_574 : vector<16xi32>
        %broadcast_in_dim3A_576 = vector.shape_cast %xor3A_575 : vector<16xi32> to vector<16x1xi32>
        %gather3A_577 = vector.shape_cast %broadcast_in_dim3A_576 : vector<16x1xi32> to vector<16xi32>
        %gather3A_578 = tpu.dynamic_gather %add3A_572[%gather3A_577] in [0] : vector<16xf32>, vector<16xi32> -> vector<16xf32>
        %add3A_579 = arith.addf %add3A_572, %gather3A_578 : vector<16xf32>
        %xor3A_580 = arith.constant 4 : i32
        %xor3A_581 = vector.broadcast %xor3A_580 : i32 to vector<16xi32>
        %xor3A_582 = arith.xori %iota3A_565, %xor3A_581 : vector<16xi32>
        %broadcast_in_dim3A_583 = vector.shape_cast %xor3A_582 : vector<16xi32> to vector<16x1xi32>
        %gather3A_584 = vector.shape_cast %broadcast_in_dim3A_583 : vector<16x1xi32> to vector<16xi32>
        %gather3A_585 = tpu.dynamic_gather %add3A_579[%gather3A_584] in [0] : vector<16xf32>, vector<16xi32> -> vector<16xf32>
        %add3A_586 = arith.addf %add3A_579, %gather3A_585 : vector<16xf32>
        %xor3A_587 = arith.constant 8 : i32
        %xor3A_588 = vector.broadcast %xor3A_587 : i32 to vector<16xi32>
        %xor3A_589 = arith.xori %iota3A_565, %xor3A_588 : vector<16xi32>
        %broadcast_in_dim3A_590 = vector.shape_cast %xor3A_589 : vector<16xi32> to vector<16x1xi32>
        %gather3A_591 = vector.shape_cast %broadcast_in_dim3A_590 : vector<16x1xi32> to vector<16xi32>
        %gather3A_592 = tpu.dynamic_gather %add3A_586[%gather3A_591] in [0] : vector<16xf32>, vector<16xi32> -> vector<16xf32>
        %add3A_593 = arith.addf %add3A_586, %gather3A_592 : vector<16xf32>
        %mul3A_594 = arith.constant 7.812500e-03 : f32
        %mul3A_595 = vector.broadcast %mul3A_594 : f32 to vector<16xf32>
        %mul3A_596 = arith.mulf %add3A_593, %mul3A_595 : vector<16xf32>
        %add3A_597 = arith.constant 9.99999996E-13 : f32
        %add3A_598 = vector.broadcast %add3A_597 : f32 to vector<16xf32>
        %add3A_599 = arith.addf %mul3A_596, %add3A_598 : vector<16xf32>
        %bitcast_convert_type3A_600 = tpu.bitcast %add3A_599 : vector<16xf32> -> vector<16xi32>
        %shift_right_logical3A_601 = arith.constant 1 : i32
        %shift_right_logical3A_602 = vector.broadcast %shift_right_logical3A_601 : i32 to vector<16xi32>
        %shift_right_logical3A_603 = arith.shrui %bitcast_convert_type3A_600, %shift_right_logical3A_602 : vector<16xi32>
        %sub3A_604 = arith.constant 1597463007 : i32
        %sub3A_605 = vector.broadcast %sub3A_604 : i32 to vector<16xi32>
        %sub3A_606 = arith.subi %sub3A_605, %shift_right_logical3A_603 : vector<16xi32>
        %bitcast_convert_type3A_607 = tpu.bitcast %sub3A_606 : vector<16xi32> -> vector<16xf32>
        %mul3A_608 = arith.constant 5.000000e-01 : f32
        %mul3A_609 = vector.broadcast %mul3A_608 : f32 to vector<16xf32>
        %mul3A_610 = arith.mulf %add3A_599, %mul3A_609 : vector<16xf32>
        %mul3A_611 = arith.mulf %mul3A_610, %bitcast_convert_type3A_607 : vector<16xf32>
        %mul3A_612 = arith.mulf %mul3A_611, %bitcast_convert_type3A_607 : vector<16xf32>
        %sub3A_613 = arith.constant 1.500000e+00 : f32
        %sub3A_614 = vector.broadcast %sub3A_613 : f32 to vector<16xf32>
        %sub3A_615 = arith.subf %sub3A_614, %mul3A_612 : vector<16xf32>
        %mul3A_616 = arith.mulf %bitcast_convert_type3A_607, %sub3A_615 : vector<16xf32>
        %mul3A_617 = arith.mulf %mul3A_610, %mul3A_616 : vector<16xf32>
        %mul3A_618 = arith.mulf %mul3A_617, %mul3A_616 : vector<16xf32>
        %sub3A_619 = arith.constant 1.500000e+00 : f32
        %sub3A_620 = vector.broadcast %sub3A_619 : f32 to vector<16xf32>
        %sub3A_621 = arith.subf %sub3A_620, %mul3A_618 : vector<16xf32>
        %mul3A_622 = arith.mulf %mul3A_616, %sub3A_621 : vector<16xf32>
        %mul3A_623 = arith.mulf %mul3A_610, %mul3A_622 : vector<16xf32>
        %mul3A_624 = arith.mulf %mul3A_623, %mul3A_622 : vector<16xf32>
        %sub3A_625 = arith.constant 1.500000e+00 : f32
        %sub3A_626 = vector.broadcast %sub3A_625 : f32 to vector<16xf32>
        %sub3A_627 = arith.subf %sub3A_626, %mul3A_624 : vector<16xf32>
        %mul3A_628 = arith.mulf %mul3A_622, %sub3A_627 : vector<16xf32>
        %mul3A_629 = arith.mulf %sub3A_542, %mul3A_628 : vector<16xf32>
        %mul3A_630 = arith.mulf %mul3A_629, %get3A_4 : vector<16xf32>
        %add3A_631 = arith.addf %mul3A_630, %get3A_28 : vector<16xf32>
        %swap3A_632 = arith.index_cast %scan3A_382 : i32 to index
        %swap3A_633 = arith.constant 0 : index
        %swap3A_634 = tpu.vector_load %arg15[%swap3A_632, %swap3A_633] {strides = array<i32>} : memref<64x128xf32, #tpu.memory_space<vmem>>, vector<1x16xf32>,
        %swap3A_635 = vector.shape_cast %swap3A_634 : vector<1x16xf32> to vector<16xf32>
        %swap3A_636 = vector.shape_cast %add3A_631 : vector<16xf32> to vector<1x16xf32>
        tpu.vector_store %arg15[%swap3A_632, %swap3A_633], %swap3A_636 {strides = array<i32>} : memref<64x128xf32, #tpu.memory_space<vmem>>, vector<1x16xf32>,
        %mul3A_637 = arith.mulf %sub3A_543, %mul3A_628 : vector<16xf32>
        %mul3A_638 = arith.mulf %mul3A_637, %get3A_7 : vector<16xf32>
        %add3A_639 = arith.addf %mul3A_638, %get3A_31 : vector<16xf32>
        %swap3A_640 = arith.index_cast %scan3A_382 : i32 to index
        %swap3A_641 = arith.constant 16 : index
        %swap3A_642 = tpu.vector_load %arg15[%swap3A_640, %swap3A_641] {strides = array<i32>} : memref<64x128xf32, #tpu.memory_space<vmem>>, vector<1x16xf32>,
        %swap3A_643 = vector.shape_cast %swap3A_642 : vector<1x16xf32> to vector<16xf32>
        %swap3A_644 = vector.shape_cast %add3A_639 : vector<16xf32> to vector<1x16xf32>
        tpu.vector_store %arg15[%swap3A_640, %swap3A_641], %swap3A_644 {strides = array<i32>} : memref<64x128xf32, #tpu.memory_space<vmem>>, vector<1x16xf32>,
        %mul3A_645 = arith.mulf %sub3A_544, %mul3A_628 : vector<16xf32>
        %mul3A_646 = arith.mulf %mul3A_645, %get3A_10 : vector<16xf32>
        %add3A_647 = arith.addf %mul3A_646, %get3A_34 : vector<16xf32>
        %swap3A_648 = arith.index_cast %scan3A_382 : i32 to index
        %swap3A_649 = arith.constant 32 : index
        %swap3A_650 = tpu.vector_load %arg15[%swap3A_648, %swap3A_649] {strides = array<i32>} : memref<64x128xf32, #tpu.memory_space<vmem>>, vector<1x16xf32>,
        %swap3A_651 = vector.shape_cast %swap3A_650 : vector<1x16xf32> to vector<16xf32>
        %swap3A_652 = vector.shape_cast %add3A_647 : vector<16xf32> to vector<1x16xf32>
        tpu.vector_store %arg15[%swap3A_648, %swap3A_649], %swap3A_652 {strides = array<i32>} : memref<64x128xf32, #tpu.memory_space<vmem>>, vector<1x16xf32>,
        %mul3A_653 = arith.mulf %sub3A_545, %mul3A_628 : vector<16xf32>
        %mul3A_654 = arith.mulf %mul3A_653, %get3A_13 : vector<16xf32>
        %add3A_655 = arith.addf %mul3A_654, %get3A_37 : vector<16xf32>
        %swap3A_656 = arith.index_cast %scan3A_382 : i32 to index
        %swap3A_657 = arith.constant 48 : index
        %swap3A_658 = tpu.vector_load %arg15[%swap3A_656, %swap3A_657] {strides = array<i32>} : memref<64x128xf32, #tpu.memory_space<vmem>>, vector<1x16xf32>,
        %swap3A_659 = vector.shape_cast %swap3A_658 : vector<1x16xf32> to vector<16xf32>
        %swap3A_660 = vector.shape_cast %add3A_655 : vector<16xf32> to vector<1x16xf32>
        tpu.vector_store %arg15[%swap3A_656, %swap3A_657], %swap3A_660 {strides = array<i32>} : memref<64x128xf32, #tpu.memory_space<vmem>>, vector<1x16xf32>,
        %mul3A_661 = arith.mulf %sub3A_546, %mul3A_628 : vector<16xf32>
        %mul3A_662 = arith.mulf %mul3A_661, %get3A_16 : vector<16xf32>
        %add3A_663 = arith.addf %mul3A_662, %get3A_40 : vector<16xf32>
        %swap3A_664 = arith.index_cast %scan3A_382 : i32 to index
        %swap3A_665 = arith.constant 64 : index
        %swap3A_666 = tpu.vector_load %arg15[%swap3A_664, %swap3A_665] {strides = array<i32>} : memref<64x128xf32, #tpu.memory_space<vmem>>, vector<1x16xf32>,
        %swap3A_667 = vector.shape_cast %swap3A_666 : vector<1x16xf32> to vector<16xf32>
        %swap3A_668 = vector.shape_cast %add3A_663 : vector<16xf32> to vector<1x16xf32>
        tpu.vector_store %arg15[%swap3A_664, %swap3A_665], %swap3A_668 {strides = array<i32>} : memref<64x128xf32, #tpu.memory_space<vmem>>, vector<1x16xf32>,
        %mul3A_669 = arith.mulf %sub3A_547, %mul3A_628 : vector<16xf32>
        %mul3A_670 = arith.mulf %mul3A_669, %get3A_19 : vector<16xf32>
        %add3A_671 = arith.addf %mul3A_670, %get3A_43 : vector<16xf32>
        %swap3A_672 = arith.index_cast %scan3A_382 : i32 to index
        %swap3A_673 = arith.constant 80 : index
        %swap3A_674 = tpu.vector_load %arg15[%swap3A_672, %swap3A_673] {strides = array<i32>} : memref<64x128xf32, #tpu.memory_space<vmem>>, vector<1x16xf32>,
        %swap3A_675 = vector.shape_cast %swap3A_674 : vector<1x16xf32> to vector<16xf32>
        %swap3A_676 = vector.shape_cast %add3A_671 : vector<16xf32> to vector<1x16xf32>
        tpu.vector_store %arg15[%swap3A_672, %swap3A_673], %swap3A_676 {strides = array<i32>} : memref<64x128xf32, #tpu.memory_space<vmem>>, vector<1x16xf32>,
        %mul3A_677 = arith.mulf %sub3A_548, %mul3A_628 : vector<16xf32>
        %mul3A_678 = arith.mulf %mul3A_677, %get3A_22 : vector<16xf32>
        %add3A_679 = arith.addf %mul3A_678, %get3A_46 : vector<16xf32>
        %swap3A_680 = arith.index_cast %scan3A_382 : i32 to index
        %swap3A_681 = arith.constant 96 : index
        %swap3A_682 = tpu.vector_load %arg15[%swap3A_680, %swap3A_681] {strides = array<i32>} : memref<64x128xf32, #tpu.memory_space<vmem>>, vector<1x16xf32>,
        %swap3A_683 = vector.shape_cast %swap3A_682 : vector<1x16xf32> to vector<16xf32>
        %swap3A_684 = vector.shape_cast %add3A_679 : vector<16xf32> to vector<1x16xf32>
        tpu.vector_store %arg15[%swap3A_680, %swap3A_681], %swap3A_684 {strides = array<i32>} : memref<64x128xf32, #tpu.memory_space<vmem>>, vector<1x16xf32>,
        %mul3A_685 = arith.mulf %sub3A_549, %mul3A_628 : vector<16xf32>
        %mul3A_686 = arith.mulf %mul3A_685, %get3A_25 : vector<16xf32>
        %add3A_687 = arith.addf %mul3A_686, %get3A_49 : vector<16xf32>
        %swap3A_688 = arith.index_cast %scan3A_382 : i32 to index
        %swap3A_689 = arith.constant 112 : index
        %swap3A_690 = tpu.vector_load %arg15[%swap3A_688, %swap3A_689] {strides = array<i32>} : memref<64x128xf32, #tpu.memory_space<vmem>>, vector<1x16xf32>,
        %swap3A_691 = vector.shape_cast %swap3A_690 : vector<1x16xf32> to vector<16xf32>
        %swap3A_692 = vector.shape_cast %add3A_687 : vector<16xf32> to vector<1x16xf32>
        tpu.vector_store %arg15[%swap3A_688, %swap3A_689], %swap3A_692 {strides = array<i32>} : memref<64x128xf32, #tpu.memory_space<vmem>>, vector<1x16xf32>,
      }
      %scan3A_77 = arith.constant 64 : i32
      "tpu.region"() ({
        %run_scoped3A = tpu.sem_alloc : memref<!tpu.dma_semaphore, #tpu.memory_space<semaphore_mem>>
        %dma_start3A_78 = arith.constant 0 : i32
        %dma_start3A_79 = tpu.memref_slice %arg8[%add3A_58, %dma_start3A_78] : memref<524288x128xf32, #tpu.memory_space<hbm>> -> memref<64x128xf32, #tpu.memory_space<hbm>>
        %dma_start3A_80 = arith.constant 0 : i32
        %dma_start3A_81 = tpu.memref_slice %arg8[%add3A_58, %dma_start3A_80] : memref<524288x128xf32, #tpu.memory_space<hbm>> -> memref<64x128xf32, #tpu.memory_space<hbm>>
        tpu.enqueue_dma source(%arg15 : memref<64x128xf32, #tpu.memory_space<vmem>>) target(%dma_start3A_81 : memref<64x128xf32, #tpu.memory_space<hbm>>) target_semaphore(%run_scoped3A : memref<!tpu.dma_semaphore, #tpu.memory_space<semaphore_mem>>)
        %dma_wait3A_82 = arith.constant 0 : i32
        %dma_wait3A_83 = tpu.memref_slice %arg8[%add3A_58, %dma_wait3A_82] : memref<524288x128xf32, #tpu.memory_space<hbm>> -> memref<64x128xf32, #tpu.memory_space<hbm>>
        %dma_wait3A_84 = arith.constant 0 : i32
        %dma_wait3A_85 = tpu.memref_slice %arg8[%add3A_58, %dma_wait3A_84] : memref<524288x128xf32, #tpu.memory_space<hbm>> -> memref<64x128xf32, #tpu.memory_space<hbm>>
        tpu.wait_dma2 semaphore(%run_scoped3A : memref<!tpu.dma_semaphore, #tpu.memory_space<semaphore_mem>>) src(%arg15 : memref<64x128xf32, #tpu.memory_space<vmem>>) dst(%dma_wait3A_85 : memref<64x128xf32, #tpu.memory_space<hbm>>)
        tpu.yield
      }) : () -> ()
    }
    %scan3A_54 = arith.constant 256 : i32
    return
  }
}

</mosaic_0001>

<sc_bundles>
// kernel: kernel.3.cloned.1.call-start
scs
__scs_entry_jumppad:
0x0: {  	(pc) =	sbr.rel $0x88, $3  }
0x1: {  	(tag) =	ssettag $0x0;
	lr =	simm.s32 $0x1  }
0x2: {  	[smem:$0x3F9B] =	sst lr;
	_ =	strace $0xD0000000  }
0x3: {  	_ = 	snop  }
0x4: {  	_ = 	snop  }
0x5: {  	_ = 	snop  }
0x6: {  	_ = 	snop  }
0x7: {  	_ = 	snop  }
__scs_overlays_trampoline_lowered:
0x8: {  	[smem:$0x3FAA] =	sst s0  }
0x9: {  	[smem:$0x3FAB] =	sst s1  }
0xa: {  	[smem:$0x3FAC] =	sst s2  }
0xb: {  	[smem:$0x3FAD] =	sst s3  }
0xc: {  	[smem:$0x3FAE] =	sst s4  }
0xd: {  	[smem:$0x3FAF] =	sst s5  }
0xe: {  	[smem:$0x3FB0] =	sst s6  }
0xf: {  	[smem:$0x3FB1] =	sst s7  }
0x10: {  	[smem:$0x3FB2] =	sst s8  }
0x11: {  	[smem:$0x3FB3] =	sst s9;
	s0 =	simm.s32 @!p0 $0x0  }
0x12: {  	s1 =	sld [smem:$0x3F99];
	s0 =	simm.s32 @p0 $0x1  }
0x13: {  	[smem:$0x3FB4] =	sst s0;
	s0 =	simm.s32 @!p1 $0x0  }
0x14: {  	s2 =	sld [smem:$0x3F98];
	s0 =	simm.s32 @p1 $0x1  }
0x15: {  	[smem:$0x3FB5] =	sst s0;
	s0 =	simm.s32 @!p2 $0x0  }
0x16: {  	s3 =	sld [smem:$0x3FDB];
	s0 =	simm.s32 @p2 $0x1  }
0x17: {  	s4 =	simm.s32 $0x1BF5;
	[smem:$0x3FB7] =	sst s0  }
0x18: {  	s0 =	sld [smem:$0x3F9A];
	_ =	swait.ge [sflag:s4], $0x0  }
0x19: {  	s7 =	sld [smem:$0x3F9B]  }
0x1a: {  	s8 =	sadd.s32 $0xFFFFE003, lr  }
0x1b: {  	s9 =	sadd.s32 $0xFFFFFEF7, lr;
	s5 =	simm.s32 $0xFFFFFFFF;
	p2 =	slt.u32 s8, $0xFFFFF086  }
0x1c: {  	p1 =	slt.u32 s9, $0xF7A;
	s5 =	simm.s32 @!p2 $0x0  }
0x1d: {  	s5 =	simm.s32 @p1 $0x1;
	p0 =	seq.s32 s7, s2  }
0x1e: {  	s7 =	smul.u32 @!p0 $0xF7A, s2;
	p2 =	seq.s32 @!p0 s5, $0x0  }
0x1f: {  	s9 =	smul.u32 $0xF7A, s1;
	s8 =	simm.s32 @!p0 $0x1BF5;
	p2 =	por !p2, p0  }
0x20: {  	[sflag:s8] =	ssyncset.s32 @!p0 $0xFFFFF086;
	s6 =	sadd.s32 @!p0 s3, s7;
	s7 =	simm.s32 @!p0 $0x108  }
0x21: {  	s3 =	sadd.s32 s3, s9;
	s6 =	sadd.s32 @!p0 $0x88, s6;
	s7 =	simm.s32 @p2 $0x1082  }
0x22: {  	[simem:s7], [sflag:s8] =	dma.local @!p0 [hbm:s6], $0xF7A  }
0x23: {  	s9 =	sor.u32 $0xD0000000, s2;
	s6 =	simm.s32 $0x108;
	_ =	swait.ge @!p0 [sflag:s8], $0x0  }
0x24: {  	s3 =	sadd.s32 $0x88, s3;
	s6 =	simm.s32 @!p1 $0x1082;
	[sflag:s4] =	ssyncset.s32 $0xFFFFF086  }
0x25: {  	[simem:s6], [sflag:s4] =	dma.local [hbm:s3], $0xF7A  }
0x26: {  	[smem:$0x3F9B] =	sst s1;
	(tag) =	ssettag s2;
	_ =	strace s9  }
0x27: {  	s1 =	sld [smem:$0x3FAB]  }
0x28: {  	s2 =	sld [smem:$0x3FAC]  }
0x29: {  	s4 =	sld [smem:$0x3FAE]  }
0x2a: {  	p0 =	seq.s32 s5, $0x0;
	s5 =	sld [smem:$0x3FAF]  }
0x2b: {  	s6 =	sld [smem:$0x3FB0]  }
0x2c: {  	s7 =	sld [smem:$0x3FB1]  }
0x2d: {  	s3 =	simm.s32 $0x108;
	s8 =	sld [smem:$0x3FB2]  }
0x2e: {  	s3 =	simm.s32 @!p0 $0x1082;
	s9 =	sld [smem:$0x3FB3]  }
0x2f: {  	lr =	sadd.s32 s0, s3;
	s0 =	sld [smem:$0x3FAA]  }
0x30: {  	s3 =	sld [smem:$0x3FAD]  }
0x31: {  	[smem:$0x3FB6] =	sst s10  }
0x32: {  	s10 =	sld [smem:$0x3FB4];
	_ =	sdelay $0x3  }
0x33: {  	p0 =	seq.s32 s10, $0x1;
	s10 =	sld [smem:$0x3FB6];
	_ =	sdelay $0x3  }
0x34: {  	[smem:$0x3FB6] =	sst s10  }
0x35: {  	s10 =	sld [smem:$0x3FB5];
	_ =	sdelay $0x3  }
0x36: {  	p1 =	seq.s32 s10, $0x1;
	s10 =	sld [smem:$0x3FB6];
	_ =	sdelay $0x3  }
0x37: {  	[smem:$0x3FB6] =	sst s10  }
0x38: {  	s10 =	sld [smem:$0x3FB7]  }
0x39: {  	_ = 	snop;
	(pc) =	sbr.ind lr, $3  }
0x3a: {  	_ = 	snop  }
0x3b: {  	_ = 	snop  }
0x3c: {  	p2 =	seq.s32 s10, $0x1;
	s10 =	sld [smem:$0x3FB6]  }
0x3d: {  	_ =	shalt  }
0x3e: {  	_ =	shalt  }
0x3f: {  	_ =	shalt  }
0x40: {  	_ =	shalt  }
0x41: {  	_ =	shalt  }
0x42: {  	_ =	shalt  }
0x43: {  	_ =	shalt  }
0x44: {  	_ =	shalt  }
0x45: {  	_ =	shalt  }
0x46: {  	_ =	shalt  }
0x47: {  	_ =	shalt  }
0x48: {  	_ =	shalt  }
0x49: {  	_ =	shalt  }
0x4a: {  	_ =	shalt  }
0x4b: {  	_ =	shalt  }
0x4c: {  	_ =	shalt  }
0x4d: {  	_ =	shalt  }
0x4e: {  	_ =	shalt  }
0x4f: {  	_ =	shalt  }
0x50: {  	_ =	shalt  }
0x51: {  	_ =	shalt  }
0x52: {  	_ =	shalt  }
0x53: {  	_ =	shalt  }
0x54: {  	_ =	shalt  }
0x55: {  	_ =	shalt  }
0x56: {  	_ =	shalt  }
0x57: {  	_ =	shalt  }
0x58: {  	_ =	shalt  }
0x59: {  	_ =	shalt  }
0x5a: {  	_ =	shalt  }
0x5b: {  	_ =	shalt  }
0x5c: {  	_ =	shalt  }
0x5d: {  	_ =	shalt  }
0x5e: {  	_ =	shalt  }
0x5f: {  	_ =	shalt  }
0x60: {  	_ =	shalt  }
0x61: {  	_ =	shalt  }
0x62: {  	_ =	shalt  }
0x63: {  	_ =	shalt  }
0x64: {  	_ =	shalt  }
0x65: {  	_ =	shalt  }
0x66: {  	_ =	shalt  }
0x67: {  	_ =	shalt  }
0x68: {  	_ =	shalt  }
0x69: {  	_ =	shalt  }
0x6a: {  	_ =	shalt  }
0x6b: {  	_ =	shalt  }
0x6c: {  	_ =	shalt  }
0x6d: {  	_ =	shalt  }
0x6e: {  	_ =	shalt  }
0x6f: {  	_ =	shalt  }
0x70: {  	_ =	shalt  }
0x71: {  	_ =	shalt  }
0x72: {  	_ =	shalt  }
0x73: {  	_ =	shalt  }
0x74: {  	_ =	shalt  }
0x75: {  	_ =	shalt  }
0x76: {  	_ =	shalt  }
0x77: {  	_ =	shalt  }
0x78: {  	_ =	shalt  }
0x79: {  	_ =	shalt  }
0x7a: {  	_ =	shalt  }
0x7b: {  	_ =	shalt  }
0x7c: {  	_ =	shalt  }
0x7d: {  	_ =	shalt  }
0x7e: {  	_ =	shalt  }
0x7f: {  	_ =	shalt  }
0x80: {  	_ =	shalt  }
0x81: {  	_ =	shalt  }
0x82: {  	_ =	shalt  }
0x83: {  	_ =	shalt  }
0x84: {  	_ =	shalt  }
0x85: {  	_ =	shalt  }
0x86: {  	_ =	shalt  }
0x87: {  	_ =	shalt  }
.Lfunc_end0:
.L_simem_size_0:
called_computation_lowered:
.L_overlay_start_0:
0x88: {  	s2 =	sld [smem:$0x3FD9]  }
0x89: {  	s3 =	sld [smem:$0x3FFE];
	_ =	sdelay $0x1  }
0x8a: {  	s1 =	srdreg.scid  }
0x8b: {  	s0 =	sand.u32 $0x1, s1  }
0x8c: {  	s17 =	sshll.u32 s0, $0xA;
	s2 =	sadd.s32 s3, s2  }
0x8d: {  	s2 =	sadd.s32 s2, s17  }
0x8e: {  	[smem:$0x3FC2] =	sst s2  }
0x8f: {  	_ = 	snop  }
0x90: {  	s2 =	sld [smem:$0x3FC8]  }
0x91: {  	s18 =	sld [smem:$0x3FC7]  }
0x92: {  	s4 =	sld [smem:$0x3FC6]  }
0x93: {  	s5 =	sld [smem:$0x3FC5]  }
0x94: {  	s6 =	sld [smem:$0x3FC4]  }
0x95: {  	s7 =	sld [smem:$0x3FD0];
	(tm) =	ssettm $0x1  }
0x96: {  	s8 =	sld [smem:$0x3FFB];
	_ =	sdelay $0x3  }
0x97: {  	_ =	strace s8  }
0x98: {  	s8 =	sld [smem:$0x3FFC];
	_ =	sdelay $0x3  }
0x99: {  	_ =	strace s8  }
0x9a: {  	s8 =	sld [smem:$0x3FFD];
	_ =	sdelay $0x3  }
0x9b: {  	_ =	strace s8  }
0x9c: {  	_ =	strace $0x8FFFFFFF  }
0x9d: {  	s19 =	sld [smem:$0x3FDB];
	_ =	sdelay $0x1  }
0x9e: {  	s9 =	simm.s32 $_scs_section_size  }
0x9f: {  	s10 =	simm.s32 $_size__tile_overlayer_lowered;
	s11 =	simm.s32 $_tile_overlayer_lowered  }
0xa0: {  	s22 =	simm.s32 $0x1BFF;
	s21 =	sshll.u32 s11, $0x1;
	s8 =	sadd.s32 s9, s19  }
0xa1: {  	s12 =	simm.s32 $0x0;
	s20 =	sshll.u32 s10, $0x1;
	s10 =	sadd.s32 s21, s8  }
0xa2: {  	[timem:s12], [sflag:s22] =	dma.local [hbm:s10], s20  }
0xa3: {  	_ =	swait.ge [sflag:s22], s20  }
0xa4: {  	s9 =	ssub.s32 $0x0, s20;
	[sflag:s22] =	ssyncset.done $0x0  }
0xa5: {  	[sflag:s22] =	ssyncadd.s32 s9;
	_ =	sdelay $0x1  }
0xa6: {  	s23 =	simm.s32 $0x1B8B  }
0xa7: {  	_ =	swait.ge [sflag:s23], $0x1  }
0xa8: {  	[sflag:s23] =	ssyncset.done $0x0  }
0xa9: {  	s25 =	simm.s32 $0x1B8E;
	s24 =	sld [smem:$0x3FFE];
	[sflag:s23] =	ssyncadd.s32 $0xFFFFFFFF  }
0xaa: {  	s26 =	simm.s32 $execute0_lowered;
	[smem:$0x3FD2] =	sst s25  }
0xab: {  	s10 =	sshll.u32 s26, $0x1;
	_ =	strace $0x80000046;
	[dreg:$0x1] =	wrdreg $0xFFFFFFFF  }
0xac: {  	s28 =	simm.s32 $_size_execute0_lowered;
	s8 =	sadd.s32 s8, s10;
	[dreg:$0x0] =	wrdreg $0x0  }
0xad: {  	s10 =	sshll.u32 s28, $0x1;
	[dreg:$0x2] =	wrdreg s8  }
0xae: {  	[dreg:$0x3] =	wrdreg s10  }
0xaf: {  	[dreg:$0x4] =	wrdreg $0xC0  }
0xb0: {  	_ =	task [dreg:s12], $0x5FFFF  }
0xb1: {  	[dreg:$0x1] =	wrdreg $0xFFFFFFFF  }
0xb2: {  	[dreg:$0x0] =	wrdreg $0x60  }
0xb3: {  	[dreg:$0x2] =	wrdreg s24  }
0xb4: {  	[dreg:$0x3] =	wrdreg s2  }
0xb5: {  	[dreg:$0x4] =	wrdreg s18  }
0xb6: {  	[dreg:$0x5] =	wrdreg s4  }
0xb7: {  	[dreg:$0x6] =	wrdreg s5  }
0xb8: {  	[dreg:$0x7] =	wrdreg s6  }
0xb9: {  	[dreg:$0x8] =	wrdreg s7  }
0xba: {  	[dreg:$0x9] =	wrdreg $0x9  }
0xbb: {  	_ =	task.clear_ibuf [dreg:s12], $0xAFFFF;
	_ =	strace $0x90000046  }
0xbc: {  	s29 =	simm.s32 $0x9;
	_ =	strace $0x80000048  }
0xbd: {  	_ =	swait.ge [sflag:s29], $0x1  }
0xbe: {  	[sflag:s29] =	ssyncadd.s32 $0xFFFFFFFF  }
0xbf: {  	_ =	strace $0x90000048  }
0xc0: {  	_ =	sfence  }
0xc1: {  	s30 =	sld [smem:$0x0];
	_ =	sdelay $0x2  }
0xc2: {  	s31 =	sshll.u32 s1, $0xD;
	s1 =	sshrl.u32 s1, $0x2  }
0xc3: {  	s3 =	sand.u32 $0x4000, s31;
	s1 =	sadd.s32 s1, s30  }
0xc4: {  	s0 =	sor.u32 s3, s0;
	s1 =	sshll.u32 s1, $0x11  }
0xc5: {  	s0 =	sor.u32 s1, s0  }
0xc6: {  	s0 =	sadd.s32 $0x8F2B, s0  }
0xc7: {  	[sflag:s0] =	ssyncadd.remote.s32 $0x1  }
0xc8: {  	_ =	sfence.sel $0xFFFF  }
0xc9: {  	[dreg:$0x0] =	wrdreg $0xFFFFFFFF;
	(pc) =	sbr.abs _section_cstart, $3  }
0xca: {  	[dreg:$0x1] =	wrdreg $0xFFFFFFFF  }
0xcb: {  	_ =	task.clear_ibuf [dreg:s12], $0x2FFFF;
	_ =	strace $0x9FFFFFFF  }
0xcc: {  	(tm) =	ssettm $0x7FFFFFFF  }
0xcd: {  	_ =	shalt  }
tec
execute0_lowered:
.L_overlay_start_1:
0x0: {  	(tag) =	ssettag $0x1  }
0x1: {  	s9 =	rddreg [dreg:$0x0]  }
0x2: {  	s0 =	rddreg [dreg:$0x1]  }
0x3: {  	s1 =	rddreg [dreg:$0x2]  }
0x4: {  	s2 =	rddreg [dreg:$0x3];
	v0 =	vimm.s32 $0xEFCDAB89  }
0x5: {  	s3 =	rddreg [dreg:$0x4];
	v1 =	vimm.s32 $0x67452301;
	v2 =	vimm.s32 $0xDCFE98BA;
	v3 =	vimm.s32 $0x54761032  }
0x6: {  	s5 =	rddreg [dreg:$0x5];
	s6 =	srdreg.scid;
	v4 =	vimm.s32 $0xBA98FEDC;
	v5 =	vimm.s32 $0x32107654;
	v6 =	vimm.s32 $0xFEDCBA98  }
0x7: {  	s4 =	stileid.u32;
	s7 =	rddreg [dreg:$0x6];
	v7 =	vimm.s32 $0x76543210;
	s13 =	simm.s32 $0x8000;
	v0 =	vunpack.c.l.s4.s8 v0;
	v1 =	vunpack.c.l.s4.s8 v1  }
0x8: {  	s14 =	simm.s32 $0x18000;
	s15 =	simm.s32 $0x18080;
	s16 =	simm.s32 $0x40;
	v2 =	vunpack.c.l.s4.s8 v2;
	v3 =	vunpack.c.l.s4.s8 v3;
	v4 =	vunpack.c.l.s4.s8 v4  }
0x9: {  	s17 =	simm.s32 $0x18100;
	s18 =	simm.s32 $0x1;
	s19 =	simm.s32 $0x1A100;
	v5 =	vunpack.c.l.s4.s8 v5;
	v6 =	vunpack.c.l.s4.s8 v6;
	v7 =	vunpack.c.l.s4.s8 v7  }
0xa: {  	s20 =	simm.s32 $0x1C100;
	s10 =	sand.u32 $0x1, s6;
	s8 =	sshll.u32 s4, $0x1;
	v0 =	vunpack.c.0.s8.s32 v0;
	v1 =	vunpack.c.0.s8.s32 v1;
	v2 =	vunpack.c.0.s8.s32 v2  }
0xb: {  	s21 =	simm.s32 $0x0;
	s6 =	rddreg [dreg:$0x7];
	s11 =	sor.u32 s10, s8;
	v3 =	vunpack.c.0.s8.s32 v3;
	v4 =	vunpack.c.0.s8.s32 v4;
	v5 =	vunpack.c.0.s8.s32 v5  }
0xc: {  	s8 =	simm.s32 $0x0;
	s10 =	ssub.s32 $0x2, s10;
	s12 =	sshll.u32 s11, $0xC;
	v0 =	vcombine.low v1, v0;
	v1 =	vunpack.c.0.s8.s32 v6  }
0xd: {  	[smem:$0x7FF] =	sst s8;
	s31 =	sshrl.u32 s10, $0x1;
	s9 =	sadd.s32 s12, s9;
	v2 =	vcombine.low v3, v2;
	v3 =	vcombine.low v5, v4;
	v4 =	vunpack.c.0.s8.s32 v7  }
0xe: {  	_ =	strace $0x80000047;
	s12 =	ssub.s32 s10, s31;
	s10 =	sshll.u32 s11, $0x12;
	v0 =	vand.u32 $0xF, v0;
	v5 =	vand.u32 $0xF, v1  }
0xf: {  	s9 =	sadd.s32 $0x400, s9;
	s11 =	smax.u32 s12, $0x1;
	s12 =	simm.s32 $0x2;
	v1 =	vand.u32 $0xF, v2;
	v2 =	vand.u32 $0xF, v3;
	v3 =	vcombine.low v5, v4  }
.LBB2_1:
0x10: {  	[tilespmem:s8], [sflag:$0x2] =	stream.linear.gather [hbm4b:s9+s8], $0x8000, $0x38;
	[tilespmem:$0x1E100] =	vst v63  }
0x11: {  	_ =	swait.ge [sflag:s12], $0x8000  }
0x12: {  	[sflag:s12] =	ssyncset.done $0x0  }
0x13: {  	[sflag:s12] =	ssyncadd.s32 $0xFFFF8000  }
0x14: {  	[tilespmem:s13], [sflag:$0x2] =	stream.linear.gather [hbm4b:s2+s8], $0x10000, $0x38;
	[tilespmem:$0x1E100] =	vst v63  }
0x15: {  	_ =	swait.ge [sflag:s12], $0x10000  }
0x16: {  	[sflag:s12] =	ssyncset.done $0x0  }
0x17: {  	[sflag:s12] =	ssyncadd.s32 $0xFFFF0000  }
0x18: {  	[tilespmem:s14], [sflag:$0x2] =	stream.linear.gather [hbm4b:s3+s8], $0x80, $0x38;
	[tilespmem:$0x1E100] =	vst v63  }
0x19: {  	_ =	swait.ge [sflag:s12], $0x80  }
0x1a: {  	[sflag:s12] =	ssyncset.done $0x0  }
0x1b: {  	[sflag:s12] =	ssyncadd.s32 $0xFFFFFF80  }
0x1c: {  	[tilespmem:s15], [sflag:$0x2] =	stream.linear.gather [hbm4b:s5+s8], $0x80, $0x38;
	[tilespmem:$0x1E100] =	vst v63  }
0x1d: {  	_ =	swait.ge [sflag:s12], $0x80  }
0x1e: {  	[sflag:s12] =	ssyncset.done $0x0  }
0x1f: {  	[sflag:s12] =	ssyncadd.s32 $0xFFFFFF80  }
0x20: {  	v4 =	vld [tilespmem:$0x18000]  }
0x21: {  	v5 =	vld [tilespmem:$0x18010]  }
0x22: {  	v6 =	vld [tilespmem:$0x18020]  }
0x23: {  	v7 =	vld [tilespmem:$0x18030]  }
0x24: {  	v8 =	vld [tilespmem:$0x18040]  }
0x25: {  	v9 =	vld [tilespmem:$0x18050]  }
0x26: {  	v10 =	vld [tilespmem:$0x18060]  }
0x27: {  	v11 =	vld [tilespmem:$0x18070]  }
0x28: {  	v12 =	vld [tilespmem:$0x18080]  }
0x29: {  	v13 =	vld [tilespmem:$0x18090]  }
0x2a: {  	v14 =	vld [tilespmem:$0x180A0]  }
0x2b: {  	v15 =	vld [tilespmem:$0x180B0]  }
0x2c: {  	v16 =	vld [tilespmem:$0x180C0]  }
0x2d: {  	v17 =	vld [tilespmem:$0x180D0]  }
0x2e: {  	v18 =	vld [tilespmem:$0x180E0]  }
0x2f: {  	s22 =	simm.s32 $0x0;
	s23 =	simm.s32 $0x0;
	v19 =	vld [tilespmem:$0x180F0]  }
.LBB2_2:
0x30: {  	s24 =	sshll.u32 s23, $0x7  }
0x31: {  	s24 =	sand.u32 $0x3FFFFF80, s24  }
0x32: {  	[tilespmem:s17], [sflag:$0x1] =	stream.indirect.gather [hbm4b:s1+s16], $0x80, s24, s16, $0xb8;
	[tilespmem:$0x1E100] =	vst v63  }
0x33: {  	s26 =	sshll.u32 s23, $0xA;
	_ =	swait.ge [sflag:s18], $0x2000  }
0x34: {  	s24 =	sadd.s32 s10, s26;
	[sflag:s18] =	ssyncset.done $0x0  }
0x35: {  	s31 =	sand.u32 $0x7, s22;
	s25 =	sadd.s32 s0, s24;
	[sflag:s18] =	ssyncadd.s32 $0xFFFFE000  }
0x36: {  	[tilespmem:s19], [sflag:$0x2] =	stream.linear.gather [hbm4b:s25+s8], $0x2000, $0x38;
	[tilespmem:$0x1E100] =	vst v63  }
0x37: {  	s28 =	simm.s32 $0x1C180;
	s29 =	simm.s32 $0x18180;
	_ =	swait.ge [sflag:s12], $0x2000  }
0x38: {  	s30 =	simm.s32 $0x1A180;
	s25 =	sshll.u32 s31, $0xD;
	[sflag:s12] =	ssyncset.done $0x0  }
0x39: {  	s26 =	simm.s32 $0xFFFFFFFE;
	s25 =	sadd.s32 $0x8080, s25;
	[sflag:s12] =	ssyncadd.s32 $0xFFFFE000  }
.LBB2_3:
0x3a: {  	v20 =	vld [tilespmem:s30+$0xFFFFFF80]  }
0x3b: {  	v21 =	vld [tilespmem:s29+$0xFFFFFF80]  }
0x3c: {  	v22 =	vld [tilespmem:s25+$0xFFFFFF80]  }
0x3d: {  	v23 =	vld [tilespmem:s30+$0xFFFFFF90]  }
0x3e: {  	v24 =	vld [tilespmem:s29+$0xFFFFFF90]  }
0x3f: {  	v25 =	vld [tilespmem:s25+$0xFFFFFF90]  }
0x40: {  	v26 =	vld [tilespmem:s30+$0xFFFFFFA0]  }
0x41: {  	v27 =	vld [tilespmem:s29+$0xFFFFFFA0]  }
0x42: {  	v28 =	vld [tilespmem:s25+$0xFFFFFFA0]  }
0x43: {  	v29 =	vld [tilespmem:s30+$0xFFFFFFB0]  }
0x44: {  	v30 =	vld [tilespmem:s29+$0xFFFFFFB0]  }
0x45: {  	v31 =	vld [tilespmem:s25+$0xFFFFFFB0]  }
0x46: {  	v32 =	vld [tilespmem:s30+$0xFFFFFFC0]  }
0x47: {  	v33 =	vld [tilespmem:s29+$0xFFFFFFC0]  }
0x48: {  	v34 =	vld [tilespmem:s25+$0xFFFFFFC0]  }
0x49: {  	v42 =	vld [tilespmem:s30+$0xFFFFFFD0];
	v20 =	vadd.f32 v21, v20;
	v41 =	vadd.f32 v24, v23  }
0x4a: {  	v44 =	vld [tilespmem:s29+$0xFFFFFFD0];
	v43 =	vadd.f32 v27, v26  }
0x4b: {  	v45 =	vld [tilespmem:s25+$0xFFFFFFD0];
	v20 =	vadd.f32 v22, v20;
	v21 =	vadd.f32 v25, v41  }
0x4c: {  	v46 =	vld [tilespmem:s30+$0xFFFFFFE0];
	v47 =	vadd.f32 v30, v29  }
0x4d: {  	v48 =	vld [tilespmem:s29+$0xFFFFFFE0];
	v24 =	vadd.f32 v28, v43;
	v49 =	vadd.f32 v21, v20  }
0x4e: {  	v52 =	vld [tilespmem:s30+$0xFFFFFFF0];
	v50 =	vadd.f32 v33, v32  }
0x4f: {  	v53 =	vld [tilespmem:s29+$0xFFFFFFF0];
	v27 =	vadd.f32 v31, v47;
	v29 =	vadd.f32 v24, v49  }
0x50: {  	v51 =	vld [tilespmem:s25+$0xFFFFFFE0];
	v23 =	vadd.f32 v44, v42  }
0x51: {  	v30 =	vadd.f32 v34, v50;
	v54 =	vadd.f32 v27, v29  }
0x52: {  	v55 =	vld [tilespmem:s25+$0xFFFFFFF0];
	v25 =	vadd.f32 v48, v46  }
0x53: {  	v22 =	vadd.f32 v45, v23;
	v56 =	vadd.f32 v30, v54  }
0x54: {  	v57 =	vadd.f32 v53, v52  }
0x55: {  	v25 =	vadd.f32 v51, v25;
	v23 =	vadd.f32 v22, v56;
	_ =	sdelay $0x1  }
0x56: {  	v26 =	vadd.f32 v55, v57;
	v23 =	vadd.f32 v25, v23;
	_ =	sdelay $0x1  }
0x57: {  	v23 =	vadd.f32 v26, v23;
	_ =	sdelay $0x1  }
0x58: {  	v58 =	vperm.xlane v23, v0;
	_ =	sdelay $0x1  }
0x59: {  	v23 =	vadd.f32 v23, v58;
	_ =	sdelay $0x1  }
0x5a: {  	v28 =	vperm.xlane v23, v1;
	_ =	sdelay $0x1  }
0x5b: {  	v23 =	vadd.f32 v23, v28;
	_ =	sdelay $0x1  }
0x5c: {  	v28 =	vperm.xlane v23, v2;
	_ =	sdelay $0x1  }
0x5d: {  	v23 =	vadd.f32 v23, v28;
	_ =	sdelay $0x1  }
0x5e: {  	v28 =	vperm.xlane v23, v3;
	_ =	sdelay $0x1  }
0x5f: {  	v23 =	vadd.f32 v23, v28;
	_ =	sdelay $0x1  }
0x60: {  	v23 =	vmul.f32 $7.812500000e-03, v23;
	_ =	sdelay $0x1  }
0x61: {  	v20 =	vsub.f32 v20, v23;
	v21 =	vsub.f32 v21, v23;
	_ =	sdelay $0x1  }
0x62: {  	v24 =	vsub.f32 v24, v23;
	v59 =	vmul.f32 v20, v20;
	v60 =	vmul.f32 v21, v21;
	_ =	sdelay $0x1  }
0x63: {  	v27 =	vsub.f32 v27, v23;
	v61 =	vmul.f32 v24, v24;
	v28 =	vadd.f32 v60, v59;
	_ =	sdelay $0x1  }
0x64: {  	v30 =	vsub.f32 v30, v23;
	v62 =	vmul.f32 v27, v27;
	v28 =	vadd.f32 v28, v61;
	_ =	sdelay $0x1  }
0x65: {  	v22 =	vsub.f32 v22, v23;
	v63 =	vmul.f32 v30, v30;
	v28 =	vadd.f32 v28, v62;
	_ =	sdelay $0x1  }
0x66: {  	v25 =	vsub.f32 v25, v23;
	v32 =	vmul.f32 v22, v22;
	v28 =	vadd.f32 v28, v63;
	_ =	sdelay $0x1  }
0x67: {  	v23 =	vsub.f32 v26, v23;
	v34 =	vmul.f32 v25, v25;
	v33 =	vadd.f32 v28, v32;
	_ =	sdelay $0x1  }
0x68: {  	v35 =	vmul.f32 v23, v23;
	v26 =	vadd.f32 v33, v34;
	_ =	sdelay $0x1  }
0x69: {  	v26 =	vadd.f32 v26, v35;
	_ =	sdelay $0x1  }
0x6a: {  	v28 =	vperm.xlane v26, v0;
	_ =	sdelay $0x1  }
0x6b: {  	v26 =	vadd.f32 v26, v28;
	_ =	sdelay $0x1  }
0x6c: {  	v28 =	vperm.xlane v26, v1;
	_ =	sdelay $0x1  }
0x6d: {  	v26 =	vadd.f32 v26, v28;
	_ =	sdelay $0x1  }
0x6e: {  	v28 =	vperm.xlane v26, v2;
	_ =	sdelay $0x1  }
0x6f: {  	v26 =	vadd.f32 v26, v28;
	_ =	sdelay $0x1  }
0x70: {  	v28 =	vperm.xlane v26, v3;
	_ =	sdelay $0x1  }
0x71: {  	v26 =	vadd.f32 v26, v28;
	_ =	sdelay $0x1  }
0x72: {  	v26 =	vmul.f32 $7.812500000e-03, v26;
	_ =	sdelay $0x1  }
0x73: {  	v26 =	vadd.f32 $9.999999960e-13, v26;
	_ =	sdelay $0x1  }
0x74: {  	v36 =	vshrl.u32 v26, $0x1;
	v26 =	vmul.f32 $5.000000000e-01, v26  }
0x75: {  	v28 =	vsub.s32 $0x5F3759DF, v36  }
0x76: {  	v37 =	vmul.f32 v28, v26;
	_ =	sdelay $0x1  }
0x77: {  	v29 =	vmul.f32 v28, v37;
	_ =	sdelay $0x1  }
0x78: {  	v29 =	vsub.f32 $1.500000000e+00, v29;
	_ =	sdelay $0x1  }
0x79: {  	v28 =	vmul.f32 v28, v29;
	_ =	sdelay $0x1  }
0x7a: {  	v29 =	vmul.f32 v28, v26;
	_ =	sdelay $0x1  }
0x7b: {  	v29 =	vmul.f32 v29, v28;
	_ =	sdelay $0x1  }
0x7c: {  	v29 =	vsub.f32 $1.500000000e+00, v29;
	_ =	sdelay $0x1  }
0x7d: {  	v28 =	vmul.f32 v29, v28;
	_ =	sdelay $0x1  }
0x7e: {  	v26 =	vmul.f32 v28, v26;
	_ =	sdelay $0x1  }
0x7f: {  	v26 =	vmul.f32 v26, v28;
	_ =	sdelay $0x1  }
0x80: {  	v26 =	vsub.f32 $1.500000000e+00, v26;
	_ =	sdelay $0x1  }
0x81: {  	v26 =	vmul.f32 v26, v28;
	_ =	sdelay $0x1  }
0x82: {  	v20 =	vmul.f32 v26, v20  }
0x83: {  	v21 =	vmul.f32 v26, v21  }
0x84: {  	v27 =	vmul.f32 v26, v27;
	v20 =	vmul.f32 v20, v4  }
0x85: {  	v24 =	vmul.f32 v26, v24;
	v21 =	vmul.f32 v21, v5  }
0x86: {  	v22 =	vmul.f32 v26, v22;
	v27 =	vmul.f32 v27, v7;
	v20 =	vadd.f32 v20, v12  }
0x87: {  	v28 =	vmul.f32 v26, v30;
	v24 =	vmul.f32 v24, v6;
	v21 =	vadd.f32 v21, v13  }
0x88: {  	v23 =	vmul.f32 v26, v23;
	v22 =	vmul.f32 v22, v9;
	v39 =	vadd.f32 v27, v15;
	[tilespmem:s28+$0xFFFFFF80] =	vst v20  }
0x89: {  	v25 =	vmul.f32 v26, v25;
	v38 =	vmul.f32 v28, v8;
	v20 =	vadd.f32 v24, v14;
	[tilespmem:s28+$0xFFFFFF90] =	vst v21  }
0x8a: {  	v42 =	vmul.f32 v23, v11;
	v41 =	vadd.f32 v22, v17;
	[tilespmem:s28+$0xFFFFFFB0] =	vst v39  }
0x8b: {  	v40 =	vmul.f32 v25, v10;
	[tilespmem:s28+$0xFFFFFFA0] =	vst v20;
	v20 =	vadd.f32 v38, v16  }
0x8c: {  	v43 =	vadd.f32 v42, v19;
	[tilespmem:s28+$0xFFFFFFD0] =	vst v41  }
0x8d: {  	[tilespmem:s28+$0xFFFFFFC0] =	vst v20;
	v20 =	vadd.f32 v40, v18  }
0x8e: {  	[tilespmem:s28+$0xFFFFFFF0] =	vst v43  }
0x8f: {  	[tilespmem:s28+$0xFFFFFFE0] =	vst v20  }
0x90: {  	v20 =	vld [tilespmem:s30+$0x0]  }
0x91: {  	v21 =	vld [tilespmem:s29+$0x0]  }
0x92: {  	v44 =	vld [tilespmem:s25+$0x0]  }
0x93: {  	v45 =	vld [tilespmem:s30+$0x10]  }
0x94: {  	v46 =	vld [tilespmem:s29+$0x10]  }
0x95: {  	v47 =	vld [tilespmem:s25+$0x10]  }
0x96: {  	v48 =	vld [tilespmem:s30+$0x20]  }
0x97: {  	v49 =	vld [tilespmem:s29+$0x20]  }
0x98: {  	v50 =	vld [tilespmem:s25+$0x20]  }
0x99: {  	v51 =	vld [tilespmem:s30+$0x30]  }
0x9a: {  	v52 =	vld [tilespmem:s29+$0x30]  }
0x9b: {  	v53 =	vld [tilespmem:s25+$0x30]  }
0x9c: {  	v54 =	vld [tilespmem:s30+$0x40]  }
0x9d: {  	v55 =	vld [tilespmem:s29+$0x40]  }
0x9e: {  	v56 =	vld [tilespmem:s25+$0x40]  }
0x9f: {  	v58 =	vld [tilespmem:s30+$0x50];
	v20 =	vadd.f32 v21, v20;
	v57 =	vadd.f32 v46, v45  }
0xa0: {  	v60 =	vld [tilespmem:s29+$0x50];
	v59 =	vadd.f32 v49, v48  }
0xa1: {  	v61 =	vld [tilespmem:s25+$0x50];
	v20 =	vadd.f32 v44, v20;
	v21 =	vadd.f32 v47, v57  }
0xa2: {  	v62 =	vld [tilespmem:s30+$0x60];
	v63 =	vadd.f32 v52, v51  }
0xa3: {  	v36 =	vld [tilespmem:s29+$0x60];
	v24 =	vadd.f32 v50, v59;
	v37 =	vadd.f32 v21, v20  }
0xa4: {  	v40 =	vld [tilespmem:s30+$0x70];
	v38 =	vadd.f32 v55, v54  }
0xa5: {  	v41 =	vld [tilespmem:s29+$0x70];
	v27 =	vadd.f32 v53, v63;
	v29 =	vadd.f32 v24, v37  }
0xa6: {  	v39 =	vld [tilespmem:s25+$0x60];
	v23 =	vadd.f32 v60, v58  }
0xa7: {  	v30 =	vadd.f32 v56, v38;
	v42 =	vadd.f32 v27, v29  }
0xa8: {  	v43 =	vld [tilespmem:s25+$0x70];
	v25 =	vadd.f32 v36, v62  }
0xa9: {  	v22 =	vadd.f32 v61, v23;
	v44 =	vadd.f32 v30, v42  }
0xaa: {  	v45 =	vadd.f32 v41, v40  }
0xab: {  	v25 =	vadd.f32 v39, v25;
	v23 =	vadd.f32 v22, v44;
	_ =	sdelay $0x1  }
0xac: {  	v26 =	vadd.f32 v43, v45;
	v23 =	vadd.f32 v25, v23;
	_ =	sdelay $0x1  }
0xad: {  	v23 =	vadd.f32 v26, v23;
	_ =	sdelay $0x1  }
0xae: {  	v46 =	vperm.xlane v23, v0;
	_ =	sdelay $0x1  }
0xaf: {  	v23 =	vadd.f32 v23, v46;
	_ =	sdelay $0x1  }
0xb0: {  	v28 =	vperm.xlane v23, v1;
	_ =	sdelay $0x1  }
0xb1: {  	v23 =	vadd.f32 v23, v28;
	_ =	sdelay $0x1  }
0xb2: {  	v28 =	vperm.xlane v23, v2;
	_ =	sdelay $0x1  }
0xb3: {  	v23 =	vadd.f32 v23, v28;
	_ =	sdelay $0x1  }
0xb4: {  	v28 =	vperm.xlane v23, v3;
	_ =	sdelay $0x1  }
0xb5: {  	v23 =	vadd.f32 v23, v28;
	_ =	sdelay $0x1  }
0xb6: {  	v23 =	vmul.f32 $7.812500000e-03, v23;
	_ =	sdelay $0x1  }
0xb7: {  	v20 =	vsub.f32 v20, v23;
	v21 =	vsub.f32 v21, v23;
	_ =	sdelay $0x1  }
0xb8: {  	v24 =	vsub.f32 v24, v23;
	v47 =	vmul.f32 v20, v20;
	v48 =	vmul.f32 v21, v21;
	_ =	sdelay $0x1  }
0xb9: {  	v27 =	vsub.f32 v27, v23;
	v49 =	vmul.f32 v24, v24;
	v28 =	vadd.f32 v48, v47;
	_ =	sdelay $0x1  }
0xba: {  	v30 =	vsub.f32 v30, v23;
	v50 =	vmul.f32 v27, v27;
	v28 =	vadd.f32 v28, v49;
	_ =	sdelay $0x1  }
0xbb: {  	v22 =	vsub.f32 v22, v23;
	v51 =	vmul.f32 v30, v30;
	v28 =	vadd.f32 v28, v50;
	_ =	sdelay $0x1  }
0xbc: {  	v25 =	vsub.f32 v25, v23;
	v52 =	vmul.f32 v22, v22;
	v28 =	vadd.f32 v28, v51;
	_ =	sdelay $0x1  }
0xbd: {  	v23 =	vsub.f32 v26, v23;
	v54 =	vmul.f32 v25, v25;
	v53 =	vadd.f32 v28, v52;
	_ =	sdelay $0x1  }
0xbe: {  	v55 =	vmul.f32 v23, v23;
	v26 =	vadd.f32 v53, v54;
	_ =	sdelay $0x1  }
0xbf: {  	v26 =	vadd.f32 v26, v55;
	_ =	sdelay $0x1  }
0xc0: {  	v28 =	vperm.xlane v26, v0;
	_ =	sdelay $0x1  }
0xc1: {  	v26 =	vadd.f32 v26, v28;
	_ =	sdelay $0x1  }
0xc2: {  	v28 =	vperm.xlane v26, v1;
	_ =	sdelay $0x1  }
0xc3: {  	v26 =	vadd.f32 v26, v28;
	_ =	sdelay $0x1  }
0xc4: {  	v28 =	vperm.xlane v26, v2;
	_ =	sdelay $0x1  }
0xc5: {  	v26 =	vadd.f32 v26, v28;
	_ =	sdelay $0x1  }
0xc6: {  	v28 =	vperm.xlane v26, v3;
	_ =	sdelay $0x1  }
0xc7: {  	v26 =	vadd.f32 v26, v28;
	_ =	sdelay $0x1  }
0xc8: {  	v26 =	vmul.f32 $7.812500000e-03, v26;
	_ =	sdelay $0x1  }
0xc9: {  	v26 =	vadd.f32 $9.999999960e-13, v26;
	_ =	sdelay $0x1  }
0xca: {  	v56 =	vshrl.u32 v26, $0x1;
	v26 =	vmul.f32 $5.000000000e-01, v26  }
0xcb: {  	v28 =	vsub.s32 $0x5F3759DF, v56  }
0xcc: {  	v57 =	vmul.f32 v28, v26;
	_ =	sdelay $0x1  }
0xcd: {  	v29 =	vmul.f32 v28, v57;
	_ =	sdelay $0x1  }
0xce: {  	v29 =	vsub.f32 $1.500000000e+00, v29;
	_ =	sdelay $0x1  }
0xcf: {  	v28 =	vmul.f32 v28, v29;
	_ =	sdelay $0x1  }
0xd0: {  	v29 =	vmul.f32 v28, v26;
	_ =	sdelay $0x1  }
0xd1: {  	v29 =	vmul.f32 v29, v28;
	_ =	sdelay $0x1  }
0xd2: {  	v29 =	vsub.f32 $1.500000000e+00, v29;
	_ =	sdelay $0x1  }
0xd3: {  	v28 =	vmul.f32 v29, v28;
	_ =	sdelay $0x1  }
0xd4: {  	v26 =	vmul.f32 v28, v26;
	_ =	sdelay $0x1  }
0xd5: {  	v26 =	vmul.f32 v26, v28;
	_ =	sdelay $0x1  }
0xd6: {  	v26 =	vsub.f32 $1.500000000e+00, v26;
	_ =	sdelay $0x1  }
0xd7: {  	v26 =	vmul.f32 v26, v28;
	_ =	sdelay $0x1  }
0xd8: {  	v20 =	vmul.f32 v26, v20  }
0xd9: {  	v21 =	vmul.f32 v26, v21  }
0xda: {  	v27 =	vmul.f32 v26, v27;
	v20 =	vmul.f32 v20, v4  }
0xdb: {  	v24 =	vmul.f32 v26, v24;
	v21 =	vmul.f32 v21, v5  }
0xdc: {  	v22 =	vmul.f32 v26, v22;
	v27 =	vmul.f32 v27, v7;
	v20 =	vadd.f32 v20, v12  }
0xdd: {  	v28 =	vmul.f32 v26, v30;
	v24 =	vmul.f32 v24, v6;
	v21 =	vadd.f32 v21, v13  }
0xde: {  	v23 =	vmul.f32 v26, v23;
	v22 =	vmul.f32 v22, v9;
	v59 =	vadd.f32 v27, v15;
	[tilespmem:s28+$0x0] =	vst v20  }
0xdf: {  	s26 =	sadd.s32 $0x2, s26;
	v25 =	vmul.f32 v26, v25;
	v58 =	vmul.f32 v28, v8;
	v20 =	vadd.f32 v24, v14;
	[tilespmem:s28+$0x10] =	vst v21  }
0xe0: {  	p0 =	slt.u32 s26, $0x3E;
	v62 =	vmul.f32 v23, v11;
	v61 =	vadd.f32 v22, v17;
	[tilespmem:s28+$0x30] =	vst v59  }
.Ltmp0:
0xe1: {  	v60 =	vmul.f32 v25, v10;
	[tilespmem:s28+$0x20] =	vst v20;
	v20 =	vadd.f32 v58, v16;
	(pc) =	sbr.rel @p0 .LBB2_3-.Ltmp0, $4  }
0xe2: {  	v63 =	vadd.f32 v62, v19;
	[tilespmem:s28+$0x50] =	vst v61  }
0xe3: {  	[tilespmem:s28+$0x40] =	vst v20;
	v20 =	vadd.f32 v60, v18  }
0xe4: {  	s29 =	sadd.s32 $0x100, s29;
	[tilespmem:s28+$0x70] =	vst v63  }
0xe5: {  	s30 =	sadd.s32 $0x100, s30;
	s25 =	sadd.s32 $0x100, s25;
	[tilespmem:s28+$0x60] =	vst v20;
	s28 =	sadd.s32 $0x100, s28  }
0xe6: {  	s23 =	sadd.s32 $0x1, s23  }
0xe7: {  	p0 =	sne.s32 s23, $0x100  }
.Ltmp1:
0xe8: {  	s24 =	sadd.s32 s7, s24;
	(pc) =	sbr.rel @p0 .LBB2_2-.Ltmp1, $4  }
0xe9: {  	[hbm4b:s24+s8] =	stream.linear.scatter [tilespmem:s20], [sflag:$0x2], $0x2000, $0x38;
	[tilespmem:$0x1E100] =	vst v63  }
0xea: {  	_ =	swait.ge [sflag:s12], $0x2000  }
0xeb: {  	[sflag:s12] =	ssyncset.done $0x0  }
0xec: {  	s22 =	sadd.s32 $0x1, s22;
	[sflag:s12] =	ssyncadd.s32 $0xFFFFE000  }
0xed: {  	s21 =	sadd.s32 $0x1, s21  }
0xee: {  	p0 =	sne.s32 s21, s11  }
.Ltmp2:
0xef: {  	_ = 	snop;
	(pc) =	sbr.rel @p0 .LBB2_1-.Ltmp2, $1  }
0xf0: {  	_ =	sdelay $0x3  }
0xf1: {  	_ =	sfence.sel $0x180000  }
0xf2: {  	[bflag:$0x0] =	sbarrier.arrive $0xFFFF  }
0xf3: {  	p0 =	sne.s32 s4, $0x0;
	_ =	strace $0x90000047  }
0xf4: {  	s0 =	sadd.s32 @!p0 $0x100000, s6;
	[bflag:$0x2] =	sbarrier.arrive $0xFFFF  }
0xf5: {  	[sflag:s0] =	ssyncadd.tile.s32 @!p0 $0x1;
	_ =	shalt  }
.Lfunc_end2:
_tile_overlayer_lowered:
.L_overlay_start_2:
0xf6: {  	(tag) =	ssettag $0x2  }
0xf7: {  	s0 =	rddreg [dreg:$0x0];
	s2 =	stileid.u32  }
0xf8: {  	s1 =	rddreg [dreg:$0x1];
	p0 =	sne.s32 s2, $0x0  }
0xf9: {  	s3 =	rddreg [dreg:$0x2];
	[bflag:$0x3] =	sbarrier.arrive $0xFFFF;
	s2 =	simm.s32 @!p0 $0x1C02  }
0xfa: {  	[timem:s3], [sflag:s2] =	dma.local @!p0 [hbm:s0], s1  }
0xfb: {  	s0 =	simm.s32 @!p0 $0x2  }
0xfc: {  	_ =	swait.ge @!p0 [sflag:s0], s1  }
0xfd: {  	s1 =	ssub.s32 @!p0 $0x0, s1;
	[sflag:s0] =	ssyncset.done @!p0 $0x0  }
0xfe: {  	[sflag:s0] =	ssyncadd.s32 @!p0 s1  }
0xff: {  	[bflag:$0x3] =	sbarrier.arrive $0xFFFF  }
0x100: {  	_ =	shalt  }

</sc_bundles>
